<compile_context>
chip_gen: v7x
topology: tpu7x:2x2x1
jax: 0.10.2.dev20260603
libtpu: 0.0.44.dev20260713+nightly
codegen_flags: <defaults>
</compile_context>

<pallas_src>
import functools

import jax
import jax.numpy as jnp
from jax import lax
from jax.experimental import pallas as pl
from jax.experimental.pallas import tpu as pltpu
from jax.experimental.pallas import tpu_sc as plsc

_DIM = 1024
_SCALE = _DIM ** (-0.5)
_NC, _NS, _L = 2, 16, 16
_NW = _NC * _NS
_CH = 32
_NBUF = 3


def _sc_scale(emb):
    rows = emb.shape[0]
    rows_w = rows // _NW
    nch = rows_w // _CH
    vecs = _CH * (_DIM // _L)

    mesh = plsc.VectorSubcoreMesh(core_axis_name="c", subcore_axis_name="s")

    @functools.partial(
        pl.kernel,
        out_type=jax.ShapeDtypeStruct((rows, _DIM), jnp.float32),
        mesh=mesh,
        scratch_types=[
            pltpu.VMEM((_CH, _DIM), jnp.float32),
            pltpu.VMEM((_CH, _DIM), jnp.float32),
            pltpu.VMEM((_CH, _DIM), jnp.float32),
            pltpu.SemaphoreType.DMA,
            pltpu.SemaphoreType.DMA,
            pltpu.SemaphoreType.DMA,
            pltpu.SemaphoreType.DMA,
            pltpu.SemaphoreType.DMA,
            pltpu.SemaphoreType.DMA,
        ],
    )
    def k(emb_hbm, out_hbm, buf0, buf1, buf2, si0, si1, si2, so0, so1, so2):
        wid = lax.axis_index("s") * _NC + lax.axis_index("c")
        base = wid * rows_w
        bufs = (buf0, buf1, buf2)
        sin = (si0, si1, si2)
        sout = (so0, so1, so2)

        def in_copy(ch):
            b = ch % _NBUF
            return pltpu.async_copy(
                emb_hbm.at[pl.ds(base + ch * _CH, _CH)], bufs[b], sin[b])

        def out_copy(ch):
            b = ch % _NBUF
            return pltpu.async_copy(
                bufs[b], out_hbm.at[pl.ds(base + ch * _CH, _CH)], sout[b])

        in_d = {ch: in_copy(ch) for ch in range(min(_NBUF, nch))}
        out_d = {}
        for ch in range(nch):
            if ch >= _NBUF - 1 and ch + 1 < nch:
                out_d[ch - (_NBUF - 1)].wait()
                in_d[ch + 1] = in_copy(ch + 1)
            in_d[ch].wait()
            buf = bufs[ch % _NBUF]

            @plsc.parallel_loop(0, vecs, unroll=8)
            def _body(j):
                r = j >> 6
                c = pl.multiple_of((j & 63) << 4, _L)
                buf[r, pl.ds(c, _L)] = buf[r, pl.ds(c, _L)] * _SCALE

            out_d[ch] = out_copy(ch)

        for ch in range(max(0, nch - _NBUF), nch):
            out_d[ch].wait()

    return k(emb)


def kernel(x, emb):
    seq_len = x.shape[1]
    return _sc_scale(emb[:seq_len])

# --- scband reference (transcript-rebuilt; emitter-appended) ---
"""Pipeline reference for scband-absolute-positional-embedding-35854386987467 (READ-ONLY COPY).

The authoritative reference and input builder live on the scoring server;
editing this copy changes nothing except your own understanding.
"""

import jax, jax.numpy as jnp
import numpy as np

DIM = 1024
MAX_SEQ_LEN = 8192
SCALE = DIM ** (-0.5)


def setup_inputs(seed: int = 0) -> dict:
    key = jax.random.key(seed)
    k_x, k_emb = jax.random.split(key)
    x = jax.random.normal(k_x, (4, 8192, DIM), dtype=jnp.float32)
    emb = jax.random.normal(k_emb, (MAX_SEQ_LEN, DIM), dtype=jnp.float32) * 0.02
    return {"x": x, "emb": emb}


def reference(x, emb):
    seq_len = x.shape[1]
    pos = jnp.arange(seq_len)
    pos_emb = jnp.take(emb, pos, axis=0)
    pos_emb = pos_emb * SCALE
    return pos_emb

if __name__ == "__main__":
    import jax
    _d = setup_inputs()
    print(jax.jit(kernel)(*tuple(_d.values())))

</pallas_src>

<mosaic_0001>
#map = affine_map<(d0, d1) -> (0, 0)>
module attributes {stable_mosaic.version = 14 : i64} {
  func.func @k(%arg0: i32, %arg1: i32, %arg2: memref<8192x1024xf32, #tpu.memory_space<hbm>>, %arg3: memref<8192x1024xf32, #tpu.memory_space<hbm>>, %arg4: memref<32x1024xf32, #tpu.memory_space<vmem>>, %arg5: memref<32x1024xf32, #tpu.memory_space<vmem>>, %arg6: memref<32x1024xf32, #tpu.memory_space<vmem>>, %arg7: memref<!tpu.dma_semaphore, #tpu.memory_space<semaphore_mem>>, %arg8: memref<!tpu.dma_semaphore, #tpu.memory_space<semaphore_mem>>, %arg9: memref<!tpu.dma_semaphore, #tpu.memory_space<semaphore_mem>>, %arg10: memref<!tpu.dma_semaphore, #tpu.memory_space<semaphore_mem>>, %arg11: memref<!tpu.dma_semaphore, #tpu.memory_space<semaphore_mem>>, %arg12: memref<!tpu.dma_semaphore, #tpu.memory_space<semaphore_mem>>) attributes {dimension_semantics = [#tpu.dimension_semantics<core_parallel>, #tpu.dimension_semantics<subcore_parallel>], iteration_bounds = array<i64: 2, 16>, scalar_prefetch = 0 : i64, scratch_operands = 9 : i64, tpu.core_type = #tpu.core_type<sc_vector_subcore>, window_params = [{transform_indices = #map}, {transform_indices = #map}]} {
    %mul3A = arith.constant 2 : i32
    %mul3A_0 = arith.muli %arg1, %mul3A : i32
    %add3A = arith.addi %mul3A_0, %arg0 : i32
    %mul3A_1 = arith.constant 256 : i32
    %mul3A_2 = arith.muli %add3A, %mul3A_1 : i32
    %add3A_3 = arith.constant 0 : i32
    %add3A_4 = arith.addi %mul3A_2, %add3A_3 : i32
    %dma_start3A = arith.constant 0 : i32
    %dma_start3A_5 = tpu.memref_slice %arg2[%add3A_4, %dma_start3A] : memref<8192x1024xf32, #tpu.memory_space<hbm>> -> memref<32x1024xf32, #tpu.memory_space<hbm>>
    %dma_start3A_6 = arith.constant 0 : i32
    %dma_start3A_7 = tpu.memref_slice %arg2[%add3A_4, %dma_start3A_6] : memref<8192x1024xf32, #tpu.memory_space<hbm>> -> memref<32x1024xf32, #tpu.memory_space<hbm>>
    tpu.enqueue_dma source(%dma_start3A_7 : memref<32x1024xf32, #tpu.memory_space<hbm>>) target(%arg4 : memref<32x1024xf32, #tpu.memory_space<vmem>>) target_semaphore(%arg7 : memref<!tpu.dma_semaphore, #tpu.memory_space<semaphore_mem>>)
    %add3A_8 = arith.constant 32 : i32
    %add3A_9 = arith.addi %mul3A_2, %add3A_8 : i32
    %dma_start3A_10 = arith.constant 0 : i32
    %dma_start3A_11 = tpu.memref_slice %arg2[%add3A_9, %dma_start3A_10] : memref<8192x1024xf32, #tpu.memory_space<hbm>> -> memref<32x1024xf32, #tpu.memory_space<hbm>>
    %dma_start3A_12 = arith.constant 0 : i32
    %dma_start3A_13 = tpu.memref_slice %arg2[%add3A_9, %dma_start3A_12] : memref<8192x1024xf32, #tpu.memory_space<hbm>> -> memref<32x1024xf32, #tpu.memory_space<hbm>>
    tpu.enqueue_dma source(%dma_start3A_13 : memref<32x1024xf32, #tpu.memory_space<hbm>>) target(%arg5 : memref<32x1024xf32, #tpu.memory_space<vmem>>) target_semaphore(%arg8 : memref<!tpu.dma_semaphore, #tpu.memory_space<semaphore_mem>>)
    %add3A_14 = arith.constant 64 : i32
    %add3A_15 = arith.addi %mul3A_2, %add3A_14 : i32
    %dma_start3A_16 = arith.constant 0 : i32
    %dma_start3A_17 = tpu.memref_slice %arg2[%add3A_15, %dma_start3A_16] : memref<8192x1024xf32, #tpu.memory_space<hbm>> -> memref<32x1024xf32, #tpu.memory_space<hbm>>
    %dma_start3A_18 = arith.constant 0 : i32
    %dma_start3A_19 = tpu.memref_slice %arg2[%add3A_15, %dma_start3A_18] : memref<8192x1024xf32, #tpu.memory_space<hbm>> -> memref<32x1024xf32, #tpu.memory_space<hbm>>
    tpu.enqueue_dma source(%dma_start3A_19 : memref<32x1024xf32, #tpu.memory_space<hbm>>) target(%arg6 : memref<32x1024xf32, #tpu.memory_space<vmem>>) target_semaphore(%arg9 : memref<!tpu.dma_semaphore, #tpu.memory_space<semaphore_mem>>)
    %dma_wait3A = arith.constant 0 : i32
    %dma_wait3A_20 = tpu.memref_slice %arg2[%add3A_4, %dma_wait3A] : memref<8192x1024xf32, #tpu.memory_space<hbm>> -> memref<32x1024xf32, #tpu.memory_space<hbm>>
    %dma_wait3A_21 = arith.constant 0 : i32
    %dma_wait3A_22 = tpu.memref_slice %arg2[%add3A_4, %dma_wait3A_21] : memref<8192x1024xf32, #tpu.memory_space<hbm>> -> memref<32x1024xf32, #tpu.memory_space<hbm>>
    tpu.wait_dma2 semaphore(%arg7 : memref<!tpu.dma_semaphore, #tpu.memory_space<semaphore_mem>>) src(%dma_wait3A_22 : memref<32x1024xf32, #tpu.memory_space<hbm>>) dst(%arg4 : memref<32x1024xf32, #tpu.memory_space<vmem>>)
    %parallel_loop3A = arith.constant 0 : i32
    %parallel_loop3A_23 = arith.constant 2048 : i32
    %parallel_loop3A_24 = arith.constant 1 : i32
    scf.for %parallel_loop3A_184 = %parallel_loop3A to %parallel_loop3A_23 step %parallel_loop3A_24  : i32 {
      %parallel_loop3A_185 = arith.constant 6 : i32
      %parallel_loop3A_186 = arith.shrsi %parallel_loop3A_184, %parallel_loop3A_185 : i32
      %parallel_loop3A_187 = arith.constant 63 : i32
      %parallel_loop3A_188 = arith.andi %parallel_loop3A_184, %parallel_loop3A_187 : i32
      %parallel_loop3A_189 = arith.constant 4 : i32
      %parallel_loop3A_190 = arith.shli %parallel_loop3A_188, %parallel_loop3A_189 : i32
      %parallel_loop3A_191 = tpu.assume_multiple %parallel_loop3A_190, 16 : i32
      %parallel_loop3A_192 = arith.index_cast %parallel_loop3A_186 : i32 to index
      %parallel_loop3A_193 = arith.index_cast %parallel_loop3A_191 : i32 to index
      %parallel_loop3A_194 = tpu.vector_load %arg4[%parallel_loop3A_192, %parallel_loop3A_193] {strides = array<i32>} : memref<32x1024xf32, #tpu.memory_space<vmem>>, vector<1x16xf32>,
      %parallel_loop3A_195 = vector.shape_cast %parallel_loop3A_194 : vector<1x16xf32> to vector<16xf32>
      %parallel_loop3A_196 = arith.constant 3.125000e-02 : f32
      %parallel_loop3A_197 = vector.broadcast %parallel_loop3A_196 : f32 to vector<16xf32>
      %parallel_loop3A_198 = arith.mulf %parallel_loop3A_195, %parallel_loop3A_197 : vector<16xf32>
      %parallel_loop3A_199 = arith.index_cast %parallel_loop3A_186 : i32 to index
      %parallel_loop3A_200 = arith.index_cast %parallel_loop3A_191 : i32 to index
      %parallel_loop3A_201 = tpu.vector_load %arg4[%parallel_loop3A_199, %parallel_loop3A_200] {strides = array<i32>} : memref<32x1024xf32, #tpu.memory_space<vmem>>, vector<1x16xf32>,
      %parallel_loop3A_202 = vector.shape_cast %parallel_loop3A_201 : vector<1x16xf32> to vector<16xf32>
      %parallel_loop3A_203 = vector.shape_cast %parallel_loop3A_198 : vector<16xf32> to vector<1x16xf32>
      tpu.vector_store %arg4[%parallel_loop3A_199, %parallel_loop3A_200], %parallel_loop3A_203 {strides = array<i32>} : memref<32x1024xf32, #tpu.memory_space<vmem>>, vector<1x16xf32>,
    } {sc.loop_unroll_factor = 8 : i64, sc.parallel_access}
    %add3A_25 = arith.constant 0 : i32
    %add3A_26 = arith.addi %mul3A_2, %add3A_25 : i32
    %dma_start3A_27 = arith.constant 0 : i32
    %dma_start3A_28 = tpu.memref_slice %arg3[%add3A_26, %dma_start3A_27] : memref<8192x1024xf32, #tpu.memory_space<hbm>> -> memref<32x1024xf32, #tpu.memory_space<hbm>>
    %dma_start3A_29 = arith.constant 0 : i32
    %dma_start3A_30 = tpu.memref_slice %arg3[%add3A_26, %dma_start3A_29] : memref<8192x1024xf32, #tpu.memory_space<hbm>> -> memref<32x1024xf32, #tpu.memory_space<hbm>>
    tpu.enqueue_dma source(%arg4 : memref<32x1024xf32, #tpu.memory_space<vmem>>) target(%dma_start3A_30 : memref<32x1024xf32, #tpu.memory_space<hbm>>) target_semaphore(%arg10 : memref<!tpu.dma_semaphore, #tpu.memory_space<semaphore_mem>>)
    %dma_wait3A_31 = arith.constant 0 : i32
    %dma_wait3A_32 = tpu.memref_slice %arg2[%add3A_9, %dma_wait3A_31] : memref<8192x1024xf32, #tpu.memory_space<hbm>> -> memref<32x1024xf32, #tpu.memory_space<hbm>>
    %dma_wait3A_33 = arith.constant 0 : i32
    %dma_wait3A_34 = tpu.memref_slice %arg2[%add3A_9, %dma_wait3A_33] : memref<8192x1024xf32, #tpu.memory_space<hbm>> -> memref<32x1024xf32, #tpu.memory_space<hbm>>
    tpu.wait_dma2 semaphore(%arg8 : memref<!tpu.dma_semaphore, #tpu.memory_space<semaphore_mem>>) src(%dma_wait3A_34 : memref<32x1024xf32, #tpu.memory_space<hbm>>) dst(%arg5 : memref<32x1024xf32, #tpu.memory_space<vmem>>)
    %parallel_loop3A_35 = arith.constant 0 : i32
    %parallel_loop3A_36 = arith.constant 2048 : i32
    %parallel_loop3A_37 = arith.constant 1 : i32
    scf.for %parallel_loop3A_184 = %parallel_loop3A_35 to %parallel_loop3A_36 step %parallel_loop3A_37  : i32 {
      %parallel_loop3A_185 = arith.constant 6 : i32
      %parallel_loop3A_186 = arith.shrsi %parallel_loop3A_184, %parallel_loop3A_185 : i32
      %parallel_loop3A_187 = arith.constant 63 : i32
      %parallel_loop3A_188 = arith.andi %parallel_loop3A_184, %parallel_loop3A_187 : i32
      %parallel_loop3A_189 = arith.constant 4 : i32
      %parallel_loop3A_190 = arith.shli %parallel_loop3A_188, %parallel_loop3A_189 : i32
      %parallel_loop3A_191 = tpu.assume_multiple %parallel_loop3A_190, 16 : i32
      %parallel_loop3A_192 = arith.index_cast %parallel_loop3A_186 : i32 to index
      %parallel_loop3A_193 = arith.index_cast %parallel_loop3A_191 : i32 to index
      %parallel_loop3A_194 = tpu.vector_load %arg5[%parallel_loop3A_192, %parallel_loop3A_193] {strides = array<i32>} : memref<32x1024xf32, #tpu.memory_space<vmem>>, vector<1x16xf32>,
      %parallel_loop3A_195 = vector.shape_cast %parallel_loop3A_194 : vector<1x16xf32> to vector<16xf32>
      %parallel_loop3A_196 = arith.constant 3.125000e-02 : f32
      %parallel_loop3A_197 = vector.broadcast %parallel_loop3A_196 : f32 to vector<16xf32>
      %parallel_loop3A_198 = arith.mulf %parallel_loop3A_195, %parallel_loop3A_197 : vector<16xf32>
      %parallel_loop3A_199 = arith.index_cast %parallel_loop3A_186 : i32 to index
      %parallel_loop3A_200 = arith.index_cast %parallel_loop3A_191 : i32 to index
      %parallel_loop3A_201 = tpu.vector_load %arg5[%parallel_loop3A_199, %parallel_loop3A_200] {strides = array<i32>} : memref<32x1024xf32, #tpu.memory_space<vmem>>, vector<1x16xf32>,
      %parallel_loop3A_202 = vector.shape_cast %parallel_loop3A_201 : vector<1x16xf32> to vector<16xf32>
      %parallel_loop3A_203 = vector.shape_cast %parallel_loop3A_198 : vector<16xf32> to vector<1x16xf32>
      tpu.vector_store %arg5[%parallel_loop3A_199, %parallel_loop3A_200], %parallel_loop3A_203 {strides = array<i32>} : memref<32x1024xf32, #tpu.memory_space<vmem>>, vector<1x16xf32>,
    } {sc.loop_unroll_factor = 8 : i64, sc.parallel_access}
    %add3A_38 = arith.constant 32 : i32
    %add3A_39 = arith.addi %mul3A_2, %add3A_38 : i32
    %dma_start3A_40 = arith.constant 0 : i32
    %dma_start3A_41 = tpu.memref_slice %arg3[%add3A_39, %dma_start3A_40] : memref<8192x1024xf32, #tpu.memory_space<hbm>> -> memref<32x1024xf32, #tpu.memory_space<hbm>>
    %dma_start3A_42 = arith.constant 0 : i32
    %dma_start3A_43 = tpu.memref_slice %arg3[%add3A_39, %dma_start3A_42] : memref<8192x1024xf32, #tpu.memory_space<hbm>> -> memref<32x1024xf32, #tpu.memory_space<hbm>>
    tpu.enqueue_dma source(%arg5 : memref<32x1024xf32, #tpu.memory_space<vmem>>) target(%dma_start3A_43 : memref<32x1024xf32, #tpu.memory_space<hbm>>) target_semaphore(%arg11 : memref<!tpu.dma_semaphore, #tpu.memory_space<semaphore_mem>>)
    %dma_wait3A_44 = arith.constant 0 : i32
    %dma_wait3A_45 = tpu.memref_slice %arg3[%add3A_26, %dma_wait3A_44] : memref<8192x1024xf32, #tpu.memory_space<hbm>> -> memref<32x1024xf32, #tpu.memory_space<hbm>>
    %dma_wait3A_46 = arith.constant 0 : i32
    %dma_wait3A_47 = tpu.memref_slice %arg3[%add3A_26, %dma_wait3A_46] : memref<8192x1024xf32, #tpu.memory_space<hbm>> -> memref<32x1024xf32, #tpu.memory_space<hbm>>
    tpu.wait_dma2 semaphore(%arg10 : memref<!tpu.dma_semaphore, #tpu.memory_space<semaphore_mem>>) src(%arg4 : memref<32x1024xf32, #tpu.memory_space<vmem>>) dst(%dma_wait3A_47 : memref<32x1024xf32, #tpu.memory_space<hbm>>)
    %add3A_48 = arith.constant 96 : i32
    %add3A_49 = arith.addi %mul3A_2, %add3A_48 : i32
    %dma_start3A_50 = arith.constant 0 : i32
    %dma_start3A_51 = tpu.memref_slice %arg2[%add3A_49, %dma_start3A_50] : memref<8192x1024xf32, #tpu.memory_space<hbm>> -> memref<32x1024xf32, #tpu.memory_space<hbm>>
    %dma_start3A_52 = arith.constant 0 : i32
    %dma_start3A_53 = tpu.memref_slice %arg2[%add3A_49, %dma_start3A_52] : memref<8192x1024xf32, #tpu.memory_space<hbm>> -> memref<32x1024xf32, #tpu.memory_space<hbm>>
    tpu.enqueue_dma source(%dma_start3A_53 : memref<32x1024xf32, #tpu.memory_space<hbm>>) target(%arg4 : memref<32x1024xf32, #tpu.memory_space<vmem>>) target_semaphore(%arg7 : memref<!tpu.dma_semaphore, #tpu.memory_space<semaphore_mem>>)
    %dma_wait3A_54 = arith.constant 0 : i32
    %dma_wait3A_55 = tpu.memref_slice %arg2[%add3A_15, %dma_wait3A_54] : memref<8192x1024xf32, #tpu.memory_space<hbm>> -> memref<32x1024xf32, #tpu.memory_space<hbm>>
    %dma_wait3A_56 = arith.constant 0 : i32
    %dma_wait3A_57 = tpu.memref_slice %arg2[%add3A_15, %dma_wait3A_56] : memref<8192x1024xf32, #tpu.memory_space<hbm>> -> memref<32x1024xf32, #tpu.memory_space<hbm>>
    tpu.wait_dma2 semaphore(%arg9 : memref<!tpu.dma_semaphore, #tpu.memory_space<semaphore_mem>>) src(%dma_wait3A_57 : memref<32x1024xf32, #tpu.memory_space<hbm>>) dst(%arg6 : memref<32x1024xf32, #tpu.memory_space<vmem>>)
    %parallel_loop3A_58 = arith.constant 0 : i32
    %parallel_loop3A_59 = arith.constant 2048 : i32
    %parallel_loop3A_60 = arith.constant 1 : i32
    scf.for %parallel_loop3A_184 = %parallel_loop3A_58 to %parallel_loop3A_59 step %parallel_loop3A_60  : i32 {
      %parallel_loop3A_185 = arith.constant 6 : i32
      %parallel_loop3A_186 = arith.shrsi %parallel_loop3A_184, %parallel_loop3A_185 : i32
      %parallel_loop3A_187 = arith.constant 63 : i32
      %parallel_loop3A_188 = arith.andi %parallel_loop3A_184, %parallel_loop3A_187 : i32
      %parallel_loop3A_189 = arith.constant 4 : i32
      %parallel_loop3A_190 = arith.shli %parallel_loop3A_188, %parallel_loop3A_189 : i32
      %parallel_loop3A_191 = tpu.assume_multiple %parallel_loop3A_190, 16 : i32
      %parallel_loop3A_192 = arith.index_cast %parallel_loop3A_186 : i32 to index
      %parallel_loop3A_193 = arith.index_cast %parallel_loop3A_191 : i32 to index
      %parallel_loop3A_194 = tpu.vector_load %arg6[%parallel_loop3A_192, %parallel_loop3A_193] {strides = array<i32>} : memref<32x1024xf32, #tpu.memory_space<vmem>>, vector<1x16xf32>,
      %parallel_loop3A_195 = vector.shape_cast %parallel_loop3A_194 : vector<1x16xf32> to vector<16xf32>
      %parallel_loop3A_196 = arith.constant 3.125000e-02 : f32
      %parallel_loop3A_197 = vector.broadcast %parallel_loop3A_196 : f32 to vector<16xf32>
      %parallel_loop3A_198 = arith.mulf %parallel_loop3A_195, %parallel_loop3A_197 : vector<16xf32>
      %parallel_loop3A_199 = arith.index_cast %parallel_loop3A_186 : i32 to index
      %parallel_loop3A_200 = arith.index_cast %parallel_loop3A_191 : i32 to index
      %parallel_loop3A_201 = tpu.vector_load %arg6[%parallel_loop3A_199, %parallel_loop3A_200] {strides = array<i32>} : memref<32x1024xf32, #tpu.memory_space<vmem>>, vector<1x16xf32>,
      %parallel_loop3A_202 = vector.shape_cast %parallel_loop3A_201 : vector<1x16xf32> to vector<16xf32>
      %parallel_loop3A_203 = vector.shape_cast %parallel_loop3A_198 : vector<16xf32> to vector<1x16xf32>
      tpu.vector_store %arg6[%parallel_loop3A_199, %parallel_loop3A_200], %parallel_loop3A_203 {strides = array<i32>} : memref<32x1024xf32, #tpu.memory_space<vmem>>, vector<1x16xf32>,
    } {sc.loop_unroll_factor = 8 : i64, sc.parallel_access}
    %add3A_61 = arith.constant 64 : i32
    %add3A_62 = arith.addi %mul3A_2, %add3A_61 : i32
    %dma_start3A_63 = arith.constant 0 : i32
    %dma_start3A_64 = tpu.memref_slice %arg3[%add3A_62, %dma_start3A_63] : memref<8192x1024xf32, #tpu.memory_space<hbm>> -> memref<32x1024xf32, #tpu.memory_space<hbm>>
    %dma_start3A_65 = arith.constant 0 : i32
    %dma_start3A_66 = tpu.memref_slice %arg3[%add3A_62, %dma_start3A_65] : memref<8192x1024xf32, #tpu.memory_space<hbm>> -> memref<32x1024xf32, #tpu.memory_space<hbm>>
    tpu.enqueue_dma source(%arg6 : memref<32x1024xf32, #tpu.memory_space<vmem>>) target(%dma_start3A_66 : memref<32x1024xf32, #tpu.memory_space<hbm>>) target_semaphore(%arg12 : memref<!tpu.dma_semaphore, #tpu.memory_space<semaphore_mem>>)
    %dma_wait3A_67 = arith.constant 0 : i32
    %dma_wait3A_68 = tpu.memref_slice %arg3[%add3A_39, %dma_wait3A_67] : memref<8192x1024xf32, #tpu.memory_space<hbm>> -> memref<32x1024xf32, #tpu.memory_space<hbm>>
    %dma_wait3A_69 = arith.constant 0 : i32
    %dma_wait3A_70 = tpu.memref_slice %arg3[%add3A_39, %dma_wait3A_69] : memref<8192x1024xf32, #tpu.memory_space<hbm>> -> memref<32x1024xf32, #tpu.memory_space<hbm>>
    tpu.wait_dma2 semaphore(%arg11 : memref<!tpu.dma_semaphore, #tpu.memory_space<semaphore_mem>>) src(%arg5 : memref<32x1024xf32, #tpu.memory_space<vmem>>) dst(%dma_wait3A_70 : memref<32x1024xf32, #tpu.memory_space<hbm>>)
    %add3A_71 = arith.constant 128 : i32
    %add3A_72 = arith.addi %mul3A_2, %add3A_71 : i32
    %dma_start3A_73 = arith.constant 0 : i32
    %dma_start3A_74 = tpu.memref_slice %arg2[%add3A_72, %dma_start3A_73] : memref<8192x1024xf32, #tpu.memory_space<hbm>> -> memref<32x1024xf32, #tpu.memory_space<hbm>>
    %dma_start3A_75 = arith.constant 0 : i32
    %dma_start3A_76 = tpu.memref_slice %arg2[%add3A_72, %dma_start3A_75] : memref<8192x1024xf32, #tpu.memory_space<hbm>> -> memref<32x1024xf32, #tpu.memory_space<hbm>>
    tpu.enqueue_dma source(%dma_start3A_76 : memref<32x1024xf32, #tpu.memory_space<hbm>>) target(%arg5 : memref<32x1024xf32, #tpu.memory_space<vmem>>) target_semaphore(%arg8 : memref<!tpu.dma_semaphore, #tpu.memory_space<semaphore_mem>>)
    %dma_wait3A_77 = arith.constant 0 : i32
    %dma_wait3A_78 = tpu.memref_slice %arg2[%add3A_49, %dma_wait3A_77] : memref<8192x1024xf32, #tpu.memory_space<hbm>> -> memref<32x1024xf32, #tpu.memory_space<hbm>>
    %dma_wait3A_79 = arith.constant 0 : i32
    %dma_wait3A_80 = tpu.memref_slice %arg2[%add3A_49, %dma_wait3A_79] : memref<8192x1024xf32, #tpu.memory_space<hbm>> -> memref<32x1024xf32, #tpu.memory_space<hbm>>
    tpu.wait_dma2 semaphore(%arg7 : memref<!tpu.dma_semaphore, #tpu.memory_space<semaphore_mem>>) src(%dma_wait3A_80 : memref<32x1024xf32, #tpu.memory_space<hbm>>) dst(%arg4 : memref<32x1024xf32, #tpu.memory_space<vmem>>)
    %parallel_loop3A_81 = arith.constant 0 : i32
    %parallel_loop3A_82 = arith.constant 2048 : i32
    %parallel_loop3A_83 = arith.constant 1 : i32
    scf.for %parallel_loop3A_184 = %parallel_loop3A_81 to %parallel_loop3A_82 step %parallel_loop3A_83  : i32 {
      %parallel_loop3A_185 = arith.constant 6 : i32
      %parallel_loop3A_186 = arith.shrsi %parallel_loop3A_184, %parallel_loop3A_185 : i32
      %parallel_loop3A_187 = arith.constant 63 : i32
      %parallel_loop3A_188 = arith.andi %parallel_loop3A_184, %parallel_loop3A_187 : i32
      %parallel_loop3A_189 = arith.constant 4 : i32
      %parallel_loop3A_190 = arith.shli %parallel_loop3A_188, %parallel_loop3A_189 : i32
      %parallel_loop3A_191 = tpu.assume_multiple %parallel_loop3A_190, 16 : i32
      %parallel_loop3A_192 = arith.index_cast %parallel_loop3A_186 : i32 to index
      %parallel_loop3A_193 = arith.index_cast %parallel_loop3A_191 : i32 to index
      %parallel_loop3A_194 = tpu.vector_load %arg4[%parallel_loop3A_192, %parallel_loop3A_193] {strides = array<i32>} : memref<32x1024xf32, #tpu.memory_space<vmem>>, vector<1x16xf32>,
      %parallel_loop3A_195 = vector.shape_cast %parallel_loop3A_194 : vector<1x16xf32> to vector<16xf32>
      %parallel_loop3A_196 = arith.constant 3.125000e-02 : f32
      %parallel_loop3A_197 = vector.broadcast %parallel_loop3A_196 : f32 to vector<16xf32>
      %parallel_loop3A_198 = arith.mulf %parallel_loop3A_195, %parallel_loop3A_197 : vector<16xf32>
      %parallel_loop3A_199 = arith.index_cast %parallel_loop3A_186 : i32 to index
      %parallel_loop3A_200 = arith.index_cast %parallel_loop3A_191 : i32 to index
      %parallel_loop3A_201 = tpu.vector_load %arg4[%parallel_loop3A_199, %parallel_loop3A_200] {strides = array<i32>} : memref<32x1024xf32, #tpu.memory_space<vmem>>, vector<1x16xf32>,
      %parallel_loop3A_202 = vector.shape_cast %parallel_loop3A_201 : vector<1x16xf32> to vector<16xf32>
      %parallel_loop3A_203 = vector.shape_cast %parallel_loop3A_198 : vector<16xf32> to vector<1x16xf32>
      tpu.vector_store %arg4[%parallel_loop3A_199, %parallel_loop3A_200], %parallel_loop3A_203 {strides = array<i32>} : memref<32x1024xf32, #tpu.memory_space<vmem>>, vector<1x16xf32>,
    } {sc.loop_unroll_factor = 8 : i64, sc.parallel_access}
    %add3A_84 = arith.constant 96 : i32
    %add3A_85 = arith.addi %mul3A_2, %add3A_84 : i32
    %dma_start3A_86 = arith.constant 0 : i32
    %dma_start3A_87 = tpu.memref_slice %arg3[%add3A_85, %dma_start3A_86] : memref<8192x1024xf32, #tpu.memory_space<hbm>> -> memref<32x1024xf32, #tpu.memory_space<hbm>>
    %dma_start3A_88 = arith.constant 0 : i32
    %dma_start3A_89 = tpu.memref_slice %arg3[%add3A_85, %dma_start3A_88] : memref<8192x1024xf32, #tpu.memory_space<hbm>> -> memref<32x1024xf32, #tpu.memory_space<hbm>>
    tpu.enqueue_dma source(%arg4 : memref<32x1024xf32, #tpu.memory_space<vmem>>) target(%dma_start3A_89 : memref<32x1024xf32, #tpu.memory_space<hbm>>) target_semaphore(%arg10 : memref<!tpu.dma_semaphore, #tpu.memory_space<semaphore_mem>>)
    %dma_wait3A_90 = arith.constant 0 : i32
    %dma_wait3A_91 = tpu.memref_slice %arg3[%add3A_62, %dma_wait3A_90] : memref<8192x1024xf32, #tpu.memory_space<hbm>> -> memref<32x1024xf32, #tpu.memory_space<hbm>>
    %dma_wait3A_92 = arith.constant 0 : i32
    %dma_wait3A_93 = tpu.memref_slice %arg3[%add3A_62, %dma_wait3A_92] : memref<8192x1024xf32, #tpu.memory_space<hbm>> -> memref<32x1024xf32, #tpu.memory_space<hbm>>
    tpu.wait_dma2 semaphore(%arg12 : memref<!tpu.dma_semaphore, #tpu.memory_space<semaphore_mem>>) src(%arg6 : memref<32x1024xf32, #tpu.memory_space<vmem>>) dst(%dma_wait3A_93 : memref<32x1024xf32, #tpu.memory_space<hbm>>)
    %add3A_94 = arith.constant 160 : i32
    %add3A_95 = arith.addi %mul3A_2, %add3A_94 : i32
    %dma_start3A_96 = arith.constant 0 : i32
    %dma_start3A_97 = tpu.memref_slice %arg2[%add3A_95, %dma_start3A_96] : memref<8192x1024xf32, #tpu.memory_space<hbm>> -> memref<32x1024xf32, #tpu.memory_space<hbm>>
    %dma_start3A_98 = arith.constant 0 : i32
    %dma_start3A_99 = tpu.memref_slice %arg2[%add3A_95, %dma_start3A_98] : memref<8192x1024xf32, #tpu.memory_space<hbm>> -> memref<32x1024xf32, #tpu.memory_space<hbm>>
    tpu.enqueue_dma source(%dma_start3A_99 : memref<32x1024xf32, #tpu.memory_space<hbm>>) target(%arg6 : memref<32x1024xf32, #tpu.memory_space<vmem>>) target_semaphore(%arg9 : memref<!tpu.dma_semaphore, #tpu.memory_space<semaphore_mem>>)
    %dma_wait3A_100 = arith.constant 0 : i32
    %dma_wait3A_101 = tpu.memref_slice %arg2[%add3A_72, %dma_wait3A_100] : memref<8192x1024xf32, #tpu.memory_space<hbm>> -> memref<32x1024xf32, #tpu.memory_space<hbm>>
    %dma_wait3A_102 = arith.constant 0 : i32
    %dma_wait3A_103 = tpu.memref_slice %arg2[%add3A_72, %dma_wait3A_102] : memref<8192x1024xf32, #tpu.memory_space<hbm>> -> memref<32x1024xf32, #tpu.memory_space<hbm>>
    tpu.wait_dma2 semaphore(%arg8 : memref<!tpu.dma_semaphore, #tpu.memory_space<semaphore_mem>>) src(%dma_wait3A_103 : memref<32x1024xf32, #tpu.memory_space<hbm>>) dst(%arg5 : memref<32x1024xf32, #tpu.memory_space<vmem>>)
    %parallel_loop3A_104 = arith.constant 0 : i32
    %parallel_loop3A_105 = arith.constant 2048 : i32
    %parallel_loop3A_106 = arith.constant 1 : i32
    scf.for %parallel_loop3A_184 = %parallel_loop3A_104 to %parallel_loop3A_105 step %parallel_loop3A_106  : i32 {
      %parallel_loop3A_185 = arith.constant 6 : i32
      %parallel_loop3A_186 = arith.shrsi %parallel_loop3A_184, %parallel_loop3A_185 : i32
      %parallel_loop3A_187 = arith.constant 63 : i32
      %parallel_loop3A_188 = arith.andi %parallel_loop3A_184, %parallel_loop3A_187 : i32
      %parallel_loop3A_189 = arith.constant 4 : i32
      %parallel_loop3A_190 = arith.shli %parallel_loop3A_188, %parallel_loop3A_189 : i32
      %parallel_loop3A_191 = tpu.assume_multiple %parallel_loop3A_190, 16 : i32
      %parallel_loop3A_192 = arith.index_cast %parallel_loop3A_186 : i32 to index
      %parallel_loop3A_193 = arith.index_cast %parallel_loop3A_191 : i32 to index
      %parallel_loop3A_194 = tpu.vector_load %arg5[%parallel_loop3A_192, %parallel_loop3A_193] {strides = array<i32>} : memref<32x1024xf32, #tpu.memory_space<vmem>>, vector<1x16xf32>,
      %parallel_loop3A_195 = vector.shape_cast %parallel_loop3A_194 : vector<1x16xf32> to vector<16xf32>
      %parallel_loop3A_196 = arith.constant 3.125000e-02 : f32
      %parallel_loop3A_197 = vector.broadcast %parallel_loop3A_196 : f32 to vector<16xf32>
      %parallel_loop3A_198 = arith.mulf %parallel_loop3A_195, %parallel_loop3A_197 : vector<16xf32>
      %parallel_loop3A_199 = arith.index_cast %parallel_loop3A_186 : i32 to index
      %parallel_loop3A_200 = arith.index_cast %parallel_loop3A_191 : i32 to index
      %parallel_loop3A_201 = tpu.vector_load %arg5[%parallel_loop3A_199, %parallel_loop3A_200] {strides = array<i32>} : memref<32x1024xf32, #tpu.memory_space<vmem>>, vector<1x16xf32>,
      %parallel_loop3A_202 = vector.shape_cast %parallel_loop3A_201 : vector<1x16xf32> to vector<16xf32>
      %parallel_loop3A_203 = vector.shape_cast %parallel_loop3A_198 : vector<16xf32> to vector<1x16xf32>
      tpu.vector_store %arg5[%parallel_loop3A_199, %parallel_loop3A_200], %parallel_loop3A_203 {strides = array<i32>} : memref<32x1024xf32, #tpu.memory_space<vmem>>, vector<1x16xf32>,
    } {sc.loop_unroll_factor = 8 : i64, sc.parallel_access}
    %add3A_107 = arith.constant 128 : i32
    %add3A_108 = arith.addi %mul3A_2, %add3A_107 : i32
    %dma_start3A_109 = arith.constant 0 : i32
    %dma_start3A_110 = tpu.memref_slice %arg3[%add3A_108, %dma_start3A_109] : memref<8192x1024xf32, #tpu.memory_space<hbm>> -> memref<32x1024xf32, #tpu.memory_space<hbm>>
    %dma_start3A_111 = arith.constant 0 : i32
    %dma_start3A_112 = tpu.memref_slice %arg3[%add3A_108, %dma_start3A_111] : memref<8192x1024xf32, #tpu.memory_space<hbm>> -> memref<32x1024xf32, #tpu.memory_space<hbm>>
    tpu.enqueue_dma source(%arg5 : memref<32x1024xf32, #tpu.memory_space<vmem>>) target(%dma_start3A_112 : memref<32x1024xf32, #tpu.memory_space<hbm>>) target_semaphore(%arg11 : memref<!tpu.dma_semaphore, #tpu.memory_space<semaphore_mem>>)
    %dma_wait3A_113 = arith.constant 0 : i32
    %dma_wait3A_114 = tpu.memref_slice %arg3[%add3A_85, %dma_wait3A_113] : memref<8192x1024xf32, #tpu.memory_space<hbm>> -> memref<32x1024xf32, #tpu.memory_space<hbm>>
    %dma_wait3A_115 = arith.constant 0 : i32
    %dma_wait3A_116 = tpu.memref_slice %arg3[%add3A_85, %dma_wait3A_115] : memref<8192x1024xf32, #tpu.memory_space<hbm>> -> memref<32x1024xf32, #tpu.memory_space<hbm>>
    tpu.wait_dma2 semaphore(%arg10 : memref<!tpu.dma_semaphore, #tpu.memory_space<semaphore_mem>>) src(%arg4 : memref<32x1024xf32, #tpu.memory_space<vmem>>) dst(%dma_wait3A_116 : memref<32x1024xf32, #tpu.memory_space<hbm>>)
    %add3A_117 = arith.constant 192 : i32
    %add3A_118 = arith.addi %mul3A_2, %add3A_117 : i32
    %dma_start3A_119 = arith.constant 0 : i32
    %dma_start3A_120 = tpu.memref_slice %arg2[%add3A_118, %dma_start3A_119] : memref<8192x1024xf32, #tpu.memory_space<hbm>> -> memref<32x1024xf32, #tpu.memory_space<hbm>>
    %dma_start3A_121 = arith.constant 0 : i32
    %dma_start3A_122 = tpu.memref_slice %arg2[%add3A_118, %dma_start3A_121] : memref<8192x1024xf32, #tpu.memory_space<hbm>> -> memref<32x1024xf32, #tpu.memory_space<hbm>>
    tpu.enqueue_dma source(%dma_start3A_122 : memref<32x1024xf32, #tpu.memory_space<hbm>>) target(%arg4 : memref<32x1024xf32, #tpu.memory_space<vmem>>) target_semaphore(%arg7 : memref<!tpu.dma_semaphore, #tpu.memory_space<semaphore_mem>>)
    %dma_wait3A_123 = arith.constant 0 : i32
    %dma_wait3A_124 = tpu.memref_slice %arg2[%add3A_95, %dma_wait3A_123] : memref<8192x1024xf32, #tpu.memory_space<hbm>> -> memref<32x1024xf32, #tpu.memory_space<hbm>>
    %dma_wait3A_125 = arith.constant 0 : i32
    %dma_wait3A_126 = tpu.memref_slice %arg2[%add3A_95, %dma_wait3A_125] : memref<8192x1024xf32, #tpu.memory_space<hbm>> -> memref<32x1024xf32, #tpu.memory_space<hbm>>
    tpu.wait_dma2 semaphore(%arg9 : memref<!tpu.dma_semaphore, #tpu.memory_space<semaphore_mem>>) src(%dma_wait3A_126 : memref<32x1024xf32, #tpu.memory_space<hbm>>) dst(%arg6 : memref<32x1024xf32, #tpu.memory_space<vmem>>)
    %parallel_loop3A_127 = arith.constant 0 : i32
    %parallel_loop3A_128 = arith.constant 2048 : i32
    %parallel_loop3A_129 = arith.constant 1 : i32
    scf.for %parallel_loop3A_184 = %parallel_loop3A_127 to %parallel_loop3A_128 step %parallel_loop3A_129  : i32 {
      %parallel_loop3A_185 = arith.constant 6 : i32
      %parallel_loop3A_186 = arith.shrsi %parallel_loop3A_184, %parallel_loop3A_185 : i32
      %parallel_loop3A_187 = arith.constant 63 : i32
      %parallel_loop3A_188 = arith.andi %parallel_loop3A_184, %parallel_loop3A_187 : i32
      %parallel_loop3A_189 = arith.constant 4 : i32
      %parallel_loop3A_190 = arith.shli %parallel_loop3A_188, %parallel_loop3A_189 : i32
      %parallel_loop3A_191 = tpu.assume_multiple %parallel_loop3A_190, 16 : i32
      %parallel_loop3A_192 = arith.index_cast %parallel_loop3A_186 : i32 to index
      %parallel_loop3A_193 = arith.index_cast %parallel_loop3A_191 : i32 to index
      %parallel_loop3A_194 = tpu.vector_load %arg6[%parallel_loop3A_192, %parallel_loop3A_193] {strides = array<i32>} : memref<32x1024xf32, #tpu.memory_space<vmem>>, vector<1x16xf32>,
      %parallel_loop3A_195 = vector.shape_cast %parallel_loop3A_194 : vector<1x16xf32> to vector<16xf32>
      %parallel_loop3A_196 = arith.constant 3.125000e-02 : f32
      %parallel_loop3A_197 = vector.broadcast %parallel_loop3A_196 : f32 to vector<16xf32>
      %parallel_loop3A_198 = arith.mulf %parallel_loop3A_195, %parallel_loop3A_197 : vector<16xf32>
      %parallel_loop3A_199 = arith.index_cast %parallel_loop3A_186 : i32 to index
      %parallel_loop3A_200 = arith.index_cast %parallel_loop3A_191 : i32 to index
      %parallel_loop3A_201 = tpu.vector_load %arg6[%parallel_loop3A_199, %parallel_loop3A_200] {strides = array<i32>} : memref<32x1024xf32, #tpu.memory_space<vmem>>, vector<1x16xf32>,
      %parallel_loop3A_202 = vector.shape_cast %parallel_loop3A_201 : vector<1x16xf32> to vector<16xf32>
      %parallel_loop3A_203 = vector.shape_cast %parallel_loop3A_198 : vector<16xf32> to vector<1x16xf32>
      tpu.vector_store %arg6[%parallel_loop3A_199, %parallel_loop3A_200], %parallel_loop3A_203 {strides = array<i32>} : memref<32x1024xf32, #tpu.memory_space<vmem>>, vector<1x16xf32>,
    } {sc.loop_unroll_factor = 8 : i64, sc.parallel_access}
    %add3A_130 = arith.constant 160 : i32
    %add3A_131 = arith.addi %mul3A_2, %add3A_130 : i32
    %dma_start3A_132 = arith.constant 0 : i32
    %dma_start3A_133 = tpu.memref_slice %arg3[%add3A_131, %dma_start3A_132] : memref<8192x1024xf32, #tpu.memory_space<hbm>> -> memref<32x1024xf32, #tpu.memory_space<hbm>>
    %dma_start3A_134 = arith.constant 0 : i32
    %dma_start3A_135 = tpu.memref_slice %arg3[%add3A_131, %dma_start3A_134] : memref<8192x1024xf32, #tpu.memory_space<hbm>> -> memref<32x1024xf32, #tpu.memory_space<hbm>>
    tpu.enqueue_dma source(%arg6 : memref<32x1024xf32, #tpu.memory_space<vmem>>) target(%dma_start3A_135 : memref<32x1024xf32, #tpu.memory_space<hbm>>) target_semaphore(%arg12 : memref<!tpu.dma_semaphore, #tpu.memory_space<semaphore_mem>>)
    %dma_wait3A_136 = arith.constant 0 : i32
    %dma_wait3A_137 = tpu.memref_slice %arg3[%add3A_108, %dma_wait3A_136] : memref<8192x1024xf32, #tpu.memory_space<hbm>> -> memref<32x1024xf32, #tpu.memory_space<hbm>>
    %dma_wait3A_138 = arith.constant 0 : i32
    %dma_wait3A_139 = tpu.memref_slice %arg3[%add3A_108, %dma_wait3A_138] : memref<8192x1024xf32, #tpu.memory_space<hbm>> -> memref<32x1024xf32, #tpu.memory_space<hbm>>
    tpu.wait_dma2 semaphore(%arg11 : memref<!tpu.dma_semaphore, #tpu.memory_space<semaphore_mem>>) src(%arg5 : memref<32x1024xf32, #tpu.memory_space<vmem>>) dst(%dma_wait3A_139 : memref<32x1024xf32, #tpu.memory_space<hbm>>)
    %add3A_140 = arith.constant 224 : i32
    %add3A_141 = arith.addi %mul3A_2, %add3A_140 : i32
    %dma_start3A_142 = arith.constant 0 : i32
    %dma_start3A_143 = tpu.memref_slice %arg2[%add3A_141, %dma_start3A_142] : memref<8192x1024xf32, #tpu.memory_space<hbm>> -> memref<32x1024xf32, #tpu.memory_space<hbm>>
    %dma_start3A_144 = arith.constant 0 : i32
    %dma_start3A_145 = tpu.memref_slice %arg2[%add3A_141, %dma_start3A_144] : memref<8192x1024xf32, #tpu.memory_space<hbm>> -> memref<32x1024xf32, #tpu.memory_space<hbm>>
    tpu.enqueue_dma source(%dma_start3A_145 : memref<32x1024xf32, #tpu.memory_space<hbm>>) target(%arg5 : memref<32x1024xf32, #tpu.memory_space<vmem>>) target_semaphore(%arg8 : memref<!tpu.dma_semaphore, #tpu.memory_space<semaphore_mem>>)
    %dma_wait3A_146 = arith.constant 0 : i32
    %dma_wait3A_147 = tpu.memref_slice %arg2[%add3A_118, %dma_wait3A_146] : memref<8192x1024xf32, #tpu.memory_space<hbm>> -> memref<32x1024xf32, #tpu.memory_space<hbm>>
    %dma_wait3A_148 = arith.constant 0 : i32
    %dma_wait3A_149 = tpu.memref_slice %arg2[%add3A_118, %dma_wait3A_148] : memref<8192x1024xf32, #tpu.memory_space<hbm>> -> memref<32x1024xf32, #tpu.memory_space<hbm>>
    tpu.wait_dma2 semaphore(%arg7 : memref<!tpu.dma_semaphore, #tpu.memory_space<semaphore_mem>>) src(%dma_wait3A_149 : memref<32x1024xf32, #tpu.memory_space<hbm>>) dst(%arg4 : memref<32x1024xf32, #tpu.memory_space<vmem>>)
    %parallel_loop3A_150 = arith.constant 0 : i32
    %parallel_loop3A_151 = arith.constant 2048 : i32
    %parallel_loop3A_152 = arith.constant 1 : i32
    scf.for %parallel_loop3A_184 = %parallel_loop3A_150 to %parallel_loop3A_151 step %parallel_loop3A_152  : i32 {
      %parallel_loop3A_185 = arith.constant 6 : i32
      %parallel_loop3A_186 = arith.shrsi %parallel_loop3A_184, %parallel_loop3A_185 : i32
      %parallel_loop3A_187 = arith.constant 63 : i32
      %parallel_loop3A_188 = arith.andi %parallel_loop3A_184, %parallel_loop3A_187 : i32
      %parallel_loop3A_189 = arith.constant 4 : i32
      %parallel_loop3A_190 = arith.shli %parallel_loop3A_188, %parallel_loop3A_189 : i32
      %parallel_loop3A_191 = tpu.assume_multiple %parallel_loop3A_190, 16 : i32
      %parallel_loop3A_192 = arith.index_cast %parallel_loop3A_186 : i32 to index
      %parallel_loop3A_193 = arith.index_cast %parallel_loop3A_191 : i32 to index
      %parallel_loop3A_194 = tpu.vector_load %arg4[%parallel_loop3A_192, %parallel_loop3A_193] {strides = array<i32>} : memref<32x1024xf32, #tpu.memory_space<vmem>>, vector<1x16xf32>,
      %parallel_loop3A_195 = vector.shape_cast %parallel_loop3A_194 : vector<1x16xf32> to vector<16xf32>
      %parallel_loop3A_196 = arith.constant 3.125000e-02 : f32
      %parallel_loop3A_197 = vector.broadcast %parallel_loop3A_196 : f32 to vector<16xf32>
      %parallel_loop3A_198 = arith.mulf %parallel_loop3A_195, %parallel_loop3A_197 : vector<16xf32>
      %parallel_loop3A_199 = arith.index_cast %parallel_loop3A_186 : i32 to index
      %parallel_loop3A_200 = arith.index_cast %parallel_loop3A_191 : i32 to index
      %parallel_loop3A_201 = tpu.vector_load %arg4[%parallel_loop3A_199, %parallel_loop3A_200] {strides = array<i32>} : memref<32x1024xf32, #tpu.memory_space<vmem>>, vector<1x16xf32>,
      %parallel_loop3A_202 = vector.shape_cast %parallel_loop3A_201 : vector<1x16xf32> to vector<16xf32>
      %parallel_loop3A_203 = vector.shape_cast %parallel_loop3A_198 : vector<16xf32> to vector<1x16xf32>
      tpu.vector_store %arg4[%parallel_loop3A_199, %parallel_loop3A_200], %parallel_loop3A_203 {strides = array<i32>} : memref<32x1024xf32, #tpu.memory_space<vmem>>, vector<1x16xf32>,
    } {sc.loop_unroll_factor = 8 : i64, sc.parallel_access}
    %add3A_153 = arith.constant 192 : i32
    %add3A_154 = arith.addi %mul3A_2, %add3A_153 : i32
    %dma_start3A_155 = arith.constant 0 : i32
    %dma_start3A_156 = tpu.memref_slice %arg3[%add3A_154, %dma_start3A_155] : memref<8192x1024xf32, #tpu.memory_space<hbm>> -> memref<32x1024xf32, #tpu.memory_space<hbm>>
    %dma_start3A_157 = arith.constant 0 : i32
    %dma_start3A_158 = tpu.memref_slice %arg3[%add3A_154, %dma_start3A_157] : memref<8192x1024xf32, #tpu.memory_space<hbm>> -> memref<32x1024xf32, #tpu.memory_space<hbm>>
    tpu.enqueue_dma source(%arg4 : memref<32x1024xf32, #tpu.memory_space<vmem>>) target(%dma_start3A_158 : memref<32x1024xf32, #tpu.memory_space<hbm>>) target_semaphore(%arg10 : memref<!tpu.dma_semaphore, #tpu.memory_space<semaphore_mem>>)
    %dma_wait3A_159 = arith.constant 0 : i32
    %dma_wait3A_160 = tpu.memref_slice %arg2[%add3A_141, %dma_wait3A_159] : memref<8192x1024xf32, #tpu.memory_space<hbm>> -> memref<32x1024xf32, #tpu.memory_space<hbm>>
    %dma_wait3A_161 = arith.constant 0 : i32
    %dma_wait3A_162 = tpu.memref_slice %arg2[%add3A_141, %dma_wait3A_161] : memref<8192x1024xf32, #tpu.memory_space<hbm>> -> memref<32x1024xf32, #tpu.memory_space<hbm>>
    tpu.wait_dma2 semaphore(%arg8 : memref<!tpu.dma_semaphore, #tpu.memory_space<semaphore_mem>>) src(%dma_wait3A_162 : memref<32x1024xf32, #tpu.memory_space<hbm>>) dst(%arg5 : memref<32x1024xf32, #tpu.memory_space<vmem>>)
    %parallel_loop3A_163 = arith.constant 0 : i32
    %parallel_loop3A_164 = arith.constant 2048 : i32
    %parallel_loop3A_165 = arith.constant 1 : i32
    scf.for %parallel_loop3A_184 = %parallel_loop3A_163 to %parallel_loop3A_164 step %parallel_loop3A_165  : i32 {
      %parallel_loop3A_185 = arith.constant 6 : i32
      %parallel_loop3A_186 = arith.shrsi %parallel_loop3A_184, %parallel_loop3A_185 : i32
      %parallel_loop3A_187 = arith.constant 63 : i32
      %parallel_loop3A_188 = arith.andi %parallel_loop3A_184, %parallel_loop3A_187 : i32
      %parallel_loop3A_189 = arith.constant 4 : i32
      %parallel_loop3A_190 = arith.shli %parallel_loop3A_188, %parallel_loop3A_189 : i32
      %parallel_loop3A_191 = tpu.assume_multiple %parallel_loop3A_190, 16 : i32
      %parallel_loop3A_192 = arith.index_cast %parallel_loop3A_186 : i32 to index
      %parallel_loop3A_193 = arith.index_cast %parallel_loop3A_191 : i32 to index
      %parallel_loop3A_194 = tpu.vector_load %arg5[%parallel_loop3A_192, %parallel_loop3A_193] {strides = array<i32>} : memref<32x1024xf32, #tpu.memory_space<vmem>>, vector<1x16xf32>,
      %parallel_loop3A_195 = vector.shape_cast %parallel_loop3A_194 : vector<1x16xf32> to vector<16xf32>
      %parallel_loop3A_196 = arith.constant 3.125000e-02 : f32
      %parallel_loop3A_197 = vector.broadcast %parallel_loop3A_196 : f32 to vector<16xf32>
      %parallel_loop3A_198 = arith.mulf %parallel_loop3A_195, %parallel_loop3A_197 : vector<16xf32>
      %parallel_loop3A_199 = arith.index_cast %parallel_loop3A_186 : i32 to index
      %parallel_loop3A_200 = arith.index_cast %parallel_loop3A_191 : i32 to index
      %parallel_loop3A_201 = tpu.vector_load %arg5[%parallel_loop3A_199, %parallel_loop3A_200] {strides = array<i32>} : memref<32x1024xf32, #tpu.memory_space<vmem>>, vector<1x16xf32>,
      %parallel_loop3A_202 = vector.shape_cast %parallel_loop3A_201 : vector<1x16xf32> to vector<16xf32>
      %parallel_loop3A_203 = vector.shape_cast %parallel_loop3A_198 : vector<16xf32> to vector<1x16xf32>
      tpu.vector_store %arg5[%parallel_loop3A_199, %parallel_loop3A_200], %parallel_loop3A_203 {strides = array<i32>} : memref<32x1024xf32, #tpu.memory_space<vmem>>, vector<1x16xf32>,
    } {sc.loop_unroll_factor = 8 : i64, sc.parallel_access}
    %add3A_166 = arith.constant 224 : i32
    %add3A_167 = arith.addi %mul3A_2, %add3A_166 : i32
    %dma_start3A_168 = arith.constant 0 : i32
    %dma_start3A_169 = tpu.memref_slice %arg3[%add3A_167, %dma_start3A_168] : memref<8192x1024xf32, #tpu.memory_space<hbm>> -> memref<32x1024xf32, #tpu.memory_space<hbm>>
    %dma_start3A_170 = arith.constant 0 : i32
    %dma_start3A_171 = tpu.memref_slice %arg3[%add3A_167, %dma_start3A_170] : memref<8192x1024xf32, #tpu.memory_space<hbm>> -> memref<32x1024xf32, #tpu.memory_space<hbm>>
    tpu.enqueue_dma source(%arg5 : memref<32x1024xf32, #tpu.memory_space<vmem>>) target(%dma_start3A_171 : memref<32x1024xf32, #tpu.memory_space<hbm>>) target_semaphore(%arg11 : memref<!tpu.dma_semaphore, #tpu.memory_space<semaphore_mem>>)
    %dma_wait3A_172 = arith.constant 0 : i32
    %dma_wait3A_173 = tpu.memref_slice %arg3[%add3A_131, %dma_wait3A_172] : memref<8192x1024xf32, #tpu.memory_space<hbm>> -> memref<32x1024xf32, #tpu.memory_space<hbm>>
    %dma_wait3A_174 = arith.constant 0 : i32
    %dma_wait3A_175 = tpu.memref_slice %arg3[%add3A_131, %dma_wait3A_174] : memref<8192x1024xf32, #tpu.memory_space<hbm>> -> memref<32x1024xf32, #tpu.memory_space<hbm>>
    tpu.wait_dma2 semaphore(%arg12 : memref<!tpu.dma_semaphore, #tpu.memory_space<semaphore_mem>>) src(%arg6 : memref<32x1024xf32, #tpu.memory_space<vmem>>) dst(%dma_wait3A_175 : memref<32x1024xf32, #tpu.memory_space<hbm>>)
    %dma_wait3A_176 = arith.constant 0 : i32
    %dma_wait3A_177 = tpu.memref_slice %arg3[%add3A_154, %dma_wait3A_176] : memref<8192x1024xf32, #tpu.memory_space<hbm>> -> memref<32x1024xf32, #tpu.memory_space<hbm>>
    %dma_wait3A_178 = arith.constant 0 : i32
    %dma_wait3A_179 = tpu.memref_slice %arg3[%add3A_154, %dma_wait3A_178] : memref<8192x1024xf32, #tpu.memory_space<hbm>> -> memref<32x1024xf32, #tpu.memory_space<hbm>>
    tpu.wait_dma2 semaphore(%arg10 : memref<!tpu.dma_semaphore, #tpu.memory_space<semaphore_mem>>) src(%arg4 : memref<32x1024xf32, #tpu.memory_space<vmem>>) dst(%dma_wait3A_179 : memref<32x1024xf32, #tpu.memory_space<hbm>>)
    %dma_wait3A_180 = arith.constant 0 : i32
    %dma_wait3A_181 = tpu.memref_slice %arg3[%add3A_167, %dma_wait3A_180] : memref<8192x1024xf32, #tpu.memory_space<hbm>> -> memref<32x1024xf32, #tpu.memory_space<hbm>>
    %dma_wait3A_182 = arith.constant 0 : i32
    %dma_wait3A_183 = tpu.memref_slice %arg3[%add3A_167, %dma_wait3A_182] : memref<8192x1024xf32, #tpu.memory_space<hbm>> -> memref<32x1024xf32, #tpu.memory_space<hbm>>
    tpu.wait_dma2 semaphore(%arg11 : memref<!tpu.dma_semaphore, #tpu.memory_space<semaphore_mem>>) src(%arg5 : memref<32x1024xf32, #tpu.memory_space<vmem>>) dst(%dma_wait3A_183 : memref<32x1024xf32, #tpu.memory_space<hbm>>)
    return
  }
}

</mosaic_0001>

<sc_bundles>
// kernel: kernel.3.cloned.1.call-start
scs
__scs_entry_jumppad:
0x0: {  	(pc) =	sbr.rel $0x88, $3  }
0x1: {  	(tag) =	ssettag $0x0;
	lr =	simm.s32 $0x1  }
0x2: {  	[smem:$0x3FA0] =	sst lr;
	_ =	strace $0xD0000000  }
0x3: {  	_ = 	snop  }
0x4: {  	_ = 	snop  }
0x5: {  	_ = 	snop  }
0x6: {  	_ = 	snop  }
0x7: {  	_ = 	snop  }
__scs_overlays_trampoline_lowered:
0x8: {  	[smem:$0x3FAF] =	sst s0  }
0x9: {  	[smem:$0x3FB0] =	sst s1  }
0xa: {  	[smem:$0x3FB1] =	sst s2  }
0xb: {  	[smem:$0x3FB2] =	sst s3  }
0xc: {  	[smem:$0x3FB3] =	sst s4  }
0xd: {  	[smem:$0x3FB4] =	sst s5  }
0xe: {  	[smem:$0x3FB5] =	sst s6  }
0xf: {  	[smem:$0x3FB6] =	sst s7  }
0x10: {  	[smem:$0x3FB7] =	sst s8  }
0x11: {  	[smem:$0x3FB8] =	sst s9;
	s0 =	simm.s32 @!p0 $0x0  }
0x12: {  	s1 =	sld [smem:$0x3F9E];
	s0 =	simm.s32 @p0 $0x1  }
0x13: {  	[smem:$0x3FB9] =	sst s0;
	s0 =	simm.s32 @!p1 $0x0  }
0x14: {  	s2 =	sld [smem:$0x3F9D];
	s0 =	simm.s32 @p1 $0x1  }
0x15: {  	[smem:$0x3FBA] =	sst s0;
	s0 =	simm.s32 @!p2 $0x0  }
0x16: {  	s3 =	sld [smem:$0x3FDB];
	s0 =	simm.s32 @p2 $0x1  }
0x17: {  	s4 =	simm.s32 $0x1BF5;
	[smem:$0x3FBC] =	sst s0  }
0x18: {  	s0 =	sld [smem:$0x3F9F];
	_ =	swait.ge [sflag:s4], $0x0  }
0x19: {  	s7 =	sld [smem:$0x3FA0]  }
0x1a: {  	s8 =	sadd.s32 $0xFFFFE003, lr  }
0x1b: {  	s9 =	sadd.s32 $0xFFFFFEF7, lr;
	s5 =	simm.s32 $0xFFFFFFFF;
	p2 =	slt.u32 s8, $0xFFFFF086  }
0x1c: {  	p1 =	slt.u32 s9, $0xF7A;
	s5 =	simm.s32 @!p2 $0x0  }
0x1d: {  	s5 =	simm.s32 @p1 $0x1;
	p0 =	seq.s32 s7, s2  }
0x1e: {  	s7 =	smul.u32 @!p0 $0xF7A, s2;
	p2 =	seq.s32 @!p0 s5, $0x0  }
0x1f: {  	s9 =	smul.u32 $0xF7A, s1;
	s8 =	simm.s32 @!p0 $0x1BF5;
	p2 =	por !p2, p0  }
0x20: {  	[sflag:s8] =	ssyncset.s32 @!p0 $0xFFFFF086;
	s6 =	sadd.s32 @!p0 s3, s7;
	s7 =	simm.s32 @!p0 $0x108  }
0x21: {  	s3 =	sadd.s32 s3, s9;
	s6 =	sadd.s32 @!p0 $0x88, s6;
	s7 =	simm.s32 @p2 $0x1082  }
0x22: {  	[simem:s7], [sflag:s8] =	dma.local @!p0 [hbm:s6], $0xF7A  }
0x23: {  	s9 =	sor.u32 $0xD0000000, s2;
	s6 =	simm.s32 $0x108;
	_ =	swait.ge @!p0 [sflag:s8], $0x0  }
0x24: {  	s3 =	sadd.s32 $0x88, s3;
	s6 =	simm.s32 @!p1 $0x1082;
	[sflag:s4] =	ssyncset.s32 $0xFFFFF086  }
0x25: {  	[simem:s6], [sflag:s4] =	dma.local [hbm:s3], $0xF7A  }
0x26: {  	[smem:$0x3FA0] =	sst s1;
	(tag) =	ssettag s2;
	_ =	strace s9  }
0x27: {  	s1 =	sld [smem:$0x3FB0]  }
0x28: {  	s2 =	sld [smem:$0x3FB1]  }
0x29: {  	s4 =	sld [smem:$0x3FB3]  }
0x2a: {  	p0 =	seq.s32 s5, $0x0;
	s5 =	sld [smem:$0x3FB4]  }
0x2b: {  	s6 =	sld [smem:$0x3FB5]  }
0x2c: {  	s7 =	sld [smem:$0x3FB6]  }
0x2d: {  	s3 =	simm.s32 $0x108;
	s8 =	sld [smem:$0x3FB7]  }
0x2e: {  	s3 =	simm.s32 @!p0 $0x1082;
	s9 =	sld [smem:$0x3FB8]  }
0x2f: {  	lr =	sadd.s32 s0, s3;
	s0 =	sld [smem:$0x3FAF]  }
0x30: {  	s3 =	sld [smem:$0x3FB2]  }
0x31: {  	[smem:$0x3FBB] =	sst s10  }
0x32: {  	s10 =	sld [smem:$0x3FB9];
	_ =	sdelay $0x3  }
0x33: {  	p0 =	seq.s32 s10, $0x1;
	s10 =	sld [smem:$0x3FBB];
	_ =	sdelay $0x3  }
0x34: {  	[smem:$0x3FBB] =	sst s10  }
0x35: {  	s10 =	sld [smem:$0x3FBA];
	_ =	sdelay $0x3  }
0x36: {  	p1 =	seq.s32 s10, $0x1;
	s10 =	sld [smem:$0x3FBB];
	_ =	sdelay $0x3  }
0x37: {  	[smem:$0x3FBB] =	sst s10  }
0x38: {  	s10 =	sld [smem:$0x3FBC]  }
0x39: {  	_ = 	snop;
	(pc) =	sbr.ind lr, $3  }
0x3a: {  	_ = 	snop  }
0x3b: {  	_ = 	snop  }
0x3c: {  	p2 =	seq.s32 s10, $0x1;
	s10 =	sld [smem:$0x3FBB]  }
0x3d: {  	_ =	shalt  }
0x3e: {  	_ =	shalt  }
0x3f: {  	_ =	shalt  }
0x40: {  	_ =	shalt  }
0x41: {  	_ =	shalt  }
0x42: {  	_ =	shalt  }
0x43: {  	_ =	shalt  }
0x44: {  	_ =	shalt  }
0x45: {  	_ =	shalt  }
0x46: {  	_ =	shalt  }
0x47: {  	_ =	shalt  }
0x48: {  	_ =	shalt  }
0x49: {  	_ =	shalt  }
0x4a: {  	_ =	shalt  }
0x4b: {  	_ =	shalt  }
0x4c: {  	_ =	shalt  }
0x4d: {  	_ =	shalt  }
0x4e: {  	_ =	shalt  }
0x4f: {  	_ =	shalt  }
0x50: {  	_ =	shalt  }
0x51: {  	_ =	shalt  }
0x52: {  	_ =	shalt  }
0x53: {  	_ =	shalt  }
0x54: {  	_ =	shalt  }
0x55: {  	_ =	shalt  }
0x56: {  	_ =	shalt  }
0x57: {  	_ =	shalt  }
0x58: {  	_ =	shalt  }
0x59: {  	_ =	shalt  }
0x5a: {  	_ =	shalt  }
0x5b: {  	_ =	shalt  }
0x5c: {  	_ =	shalt  }
0x5d: {  	_ =	shalt  }
0x5e: {  	_ =	shalt  }
0x5f: {  	_ =	shalt  }
0x60: {  	_ =	shalt  }
0x61: {  	_ =	shalt  }
0x62: {  	_ =	shalt  }
0x63: {  	_ =	shalt  }
0x64: {  	_ =	shalt  }
0x65: {  	_ =	shalt  }
0x66: {  	_ =	shalt  }
0x67: {  	_ =	shalt  }
0x68: {  	_ =	shalt  }
0x69: {  	_ =	shalt  }
0x6a: {  	_ =	shalt  }
0x6b: {  	_ =	shalt  }
0x6c: {  	_ =	shalt  }
0x6d: {  	_ =	shalt  }
0x6e: {  	_ =	shalt  }
0x6f: {  	_ =	shalt  }
0x70: {  	_ =	shalt  }
0x71: {  	_ =	shalt  }
0x72: {  	_ =	shalt  }
0x73: {  	_ =	shalt  }
0x74: {  	_ =	shalt  }
0x75: {  	_ =	shalt  }
0x76: {  	_ =	shalt  }
0x77: {  	_ =	shalt  }
0x78: {  	_ =	shalt  }
0x79: {  	_ =	shalt  }
0x7a: {  	_ =	shalt  }
0x7b: {  	_ =	shalt  }
0x7c: {  	_ =	shalt  }
0x7d: {  	_ =	shalt  }
0x7e: {  	_ =	shalt  }
0x7f: {  	_ =	shalt  }
0x80: {  	_ =	shalt  }
0x81: {  	_ =	shalt  }
0x82: {  	_ =	shalt  }
0x83: {  	_ =	shalt  }
0x84: {  	_ =	shalt  }
0x85: {  	_ =	shalt  }
0x86: {  	_ =	shalt  }
0x87: {  	_ =	shalt  }
.Lfunc_end0:
.L_simem_size_0:
called_computation_lowered:
.L_overlay_start_0:
0x88: {  	s2 =	sld [smem:$0x3FD9]  }
0x89: {  	s3 =	sld [smem:$0x3FFE];
	_ =	sdelay $0x1  }
0x8a: {  	s1 =	srdreg.scid  }
0x8b: {  	s0 =	sand.u32 $0x1, s1  }
0x8c: {  	s18 =	sshll.u32 s0, $0xA;
	s2 =	sadd.s32 s3, s2  }
0x8d: {  	s2 =	sadd.s32 s2, s18  }
0x8e: {  	[smem:$0x3FC7] =	sst s2  }
0x8f: {  	_ = 	snop  }
0x90: {  	s2 =	sld [smem:$0x3FC9]  }
0x91: {  	s19 =	sld [smem:$0x3FD0];
	(tm) =	ssettm $0x1  }
0x92: {  	s4 =	sld [smem:$0x3FFB];
	_ =	sdelay $0x3  }
0x93: {  	_ =	strace s4  }
0x94: {  	s4 =	sld [smem:$0x3FFC];
	_ =	sdelay $0x3  }
0x95: {  	_ =	strace s4  }
0x96: {  	s4 =	sld [smem:$0x3FFD];
	_ =	sdelay $0x3  }
0x97: {  	_ =	strace s4  }
0x98: {  	_ =	strace $0x8FFFFFFF  }
0x99: {  	s20 =	sld [smem:$0x3FDB];
	_ =	sdelay $0x1  }
0x9a: {  	s5 =	simm.s32 $_scs_section_size  }
0x9b: {  	s6 =	simm.s32 $_size__tile_overlayer_lowered;
	s7 =	simm.s32 $_tile_overlayer_lowered  }
0x9c: {  	s23 =	simm.s32 $0x1BFF;
	s22 =	sshll.u32 s7, $0x1;
	s4 =	sadd.s32 s5, s20  }
0x9d: {  	s8 =	simm.s32 $0x0;
	s21 =	sshll.u32 s6, $0x1;
	s6 =	sadd.s32 s22, s4  }
0x9e: {  	[timem:s8], [sflag:s23] =	dma.local [hbm:s6], s21  }
0x9f: {  	_ =	swait.ge [sflag:s23], s21  }
0xa0: {  	s5 =	ssub.s32 $0x0, s21;
	[sflag:s23] =	ssyncset.done $0x0  }
0xa1: {  	[sflag:s23] =	ssyncadd.s32 s5;
	_ =	sdelay $0x1  }
0xa2: {  	s24 =	simm.s32 $0x1B8B  }
0xa3: {  	_ =	swait.ge [sflag:s24], $0x1  }
0xa4: {  	[sflag:s24] =	ssyncset.done $0x0  }
0xa5: {  	s25 =	simm.s32 $0x1B8E;
	[sflag:s24] =	ssyncadd.s32 $0xFFFFFFFF  }
0xa6: {  	s26 =	simm.s32 $execute0_lowered;
	[smem:$0x3FD2] =	sst s25  }
0xa7: {  	s5 =	sshll.u32 s26, $0x1;
	_ =	strace $0x80000046;
	[dreg:$0x1] =	wrdreg $0xFFFFFFFF  }
0xa8: {  	s28 =	simm.s32 $_size_execute0_lowered;
	s4 =	sadd.s32 s4, s5;
	[dreg:$0x0] =	wrdreg $0x0  }
0xa9: {  	s5 =	sshll.u32 s28, $0x1;
	[dreg:$0x2] =	wrdreg s4  }
0xaa: {  	[dreg:$0x3] =	wrdreg s5  }
0xab: {  	[dreg:$0x4] =	wrdreg $0xC0  }
0xac: {  	_ =	task [dreg:s8], $0x5FFFF  }
0xad: {  	[dreg:$0x1] =	wrdreg $0xFFFFFFFF  }
0xae: {  	[dreg:$0x0] =	wrdreg $0x60  }
0xaf: {  	[dreg:$0x2] =	wrdreg s2  }
0xb0: {  	[dreg:$0x3] =	wrdreg s19  }
0xb1: {  	[dreg:$0x4] =	wrdreg $0x9  }
0xb2: {  	_ =	task.clear_ibuf [dreg:s8], $0x5FFFF;
	_ =	strace $0x90000046  }
0xb3: {  	s29 =	simm.s32 $0x9;
	_ =	strace $0x80000048  }
0xb4: {  	_ =	swait.ge [sflag:s29], $0x1  }
0xb5: {  	[sflag:s29] =	ssyncadd.s32 $0xFFFFFFFF  }
0xb6: {  	_ =	strace $0x90000048  }
0xb7: {  	_ =	sfence  }
0xb8: {  	s30 =	sld [smem:$0x0];
	_ =	sdelay $0x2  }
0xb9: {  	s31 =	sshll.u32 s1, $0xD;
	s1 =	sshrl.u32 s1, $0x2  }
0xba: {  	s3 =	sand.u32 $0x4000, s31;
	s1 =	sadd.s32 s1, s30  }
0xbb: {  	s0 =	sor.u32 s3, s0;
	s1 =	sshll.u32 s1, $0x11  }
0xbc: {  	s0 =	sor.u32 s1, s0  }
0xbd: {  	s0 =	sadd.s32 $0x8F2B, s0  }
0xbe: {  	[sflag:s0] =	ssyncadd.remote.s32 $0x1  }
0xbf: {  	_ =	sfence.sel $0xFFFF  }
0xc0: {  	[dreg:$0x0] =	wrdreg $0xFFFFFFFF;
	(pc) =	sbr.abs _section_cstart, $3  }
0xc1: {  	[dreg:$0x1] =	wrdreg $0xFFFFFFFF  }
0xc2: {  	_ =	task.clear_ibuf [dreg:s8], $0x2FFFF;
	_ =	strace $0x9FFFFFFF  }
0xc3: {  	(tm) =	ssettm $0x7FFFFFFF  }
tec
execute0_lowered:
.L_overlay_start_1:
0x0: {  	(tag) =	ssettag $0x1  }
0x1: {  	s0 =	rddreg [dreg:$0x0]  }
0x2: {  	s1 =	rddreg [dreg:$0x1]  }
0x3: {  	s3 =	srdreg.scid;
	s2 =	simm.s32 $0x0;
	s6 =	stileid.u32  }
0x4: {  	s20 =	simm.s32 $0x8000;
	s21 =	simm.s32 $0x10000;
	s22 =	simm.s32 $0x1  }
0x5: {  	s23 =	simm.s32 $0x2;
	s24 =	simm.s32 $0x4;
	s25 =	simm.s32 $0x3  }
0x6: {  	s26 =	simm.s32 $0x5;
	s28 =	simm.s32 $0x6;
	s3 =	sand.u32 $0x1, s3  }
0x7: {  	s29 =	simm.s32 $0x0;
	[smem:$0x7FF] =	sst s2;
	s4 =	ssub.s32 $0x2, s3  }
0x8: {  	s6 =	sshll.u32 s6, $0x10;
	s3 =	sshll.u32 s3, $0xF;
	s5 =	sshrl.u32 s4, $0x1  }
0x9: {  	_ =	strace $0x80000047;
	s14 =	sor.u32 s3, s6;
	s19 =	ssub.s32 s4, s5  }
0xa: {  	s3 =	sadd.s32 s0, s14;
	s7 =	sor.u32 $0x1000, s14;
	s9 =	sor.u32 $0x2000, s14  }
0xb: {  	s11 =	sor.u32 $0x3000, s14;
	s6 =	sadd.s32 s1, s14;
	s13 =	sor.u32 $0x4000, s14  }
0xc: {  	s15 =	sor.u32 $0x5000, s14;
	s17 =	sor.u32 $0x6000, s14;
	s18 =	sor.u32 $0x7000, s14  }
0xd: {  	[dreg:$0x3] =	wrdreg s3;
	s30 =	sadd.s32 s0, s7;
	s31 =	sadd.s32 s0, s9  }
0xe: {  	s7 =	sadd.s32 s1, s7;
	s8 =	sadd.s32 s0, s11;
	s9 =	sadd.s32 s1, s9  }
0xf: {  	s10 =	sadd.s32 s0, s13;
	s11 =	sadd.s32 s1, s11;
	s12 =	sadd.s32 s0, s15  }
0x10: {  	s13 =	sadd.s32 s1, s13;
	s14 =	sadd.s32 s0, s17;
	s15 =	sadd.s32 s1, s15  }
0x11: {  	s16 =	sadd.s32 s0, s18;
	s17 =	sadd.s32 s1, s17;
	[dreg:$0x4] =	wrdreg s30  }
0x12: {  	s18 =	sadd.s32 s1, s18;
	s19 =	smax.u32 s19, $0x1;
	[dreg:$0x5] =	wrdreg s31  }
.LBB2_1:
0x13: {  	s0 =	rddreg [dreg:$0x3]  }
0x14: {  	[tilespmem:s2], [sflag:$0x1] =	stream.linear.gather [hbm4b:s0+s2], $0x8000, $0x38;
	[tilespmem:$0x18000] =	vst v63  }
0x15: {  	s1 =	rddreg [dreg:$0x4]  }
0x16: {  	[tilespmem:s20], [sflag:$0x2] =	stream.linear.gather [hbm4b:s1+s2], $0x8000, $0x38;
	[tilespmem:$0x18000] =	vst v63  }
0x17: {  	s3 =	rddreg [dreg:$0x5];
	s4 =	simm.s32 $0x0;
	s30 =	simm.s32 $0x0  }
0x18: {  	[tilespmem:s21], [sflag:$0x3] =	stream.linear.gather [hbm4b:s3+s2], $0x8000, $0x38;
	[tilespmem:$0x18000] =	vst v63  }
0x19: {  	s0 =	sand.u32 $0x6000, s4;
	s1 =	sand.u32 $0x1C00, s2;
	_ =	swait.ge [sflag:s22], $0x8000  }
0x1a: {  	s30 =	sand.u32 $0x380, s30;
	s0 =	sor.u32 s1, s0;
	[sflag:s22] =	ssyncset.done $0x0  }
0x1b: {  	s31 =	sor.u32 s30, s0;
	[sflag:s22] =	ssyncadd.s32 $0xFFFF8000  }
0x1c: {  	v0 =	vld [tilespmem:s31+$0x70]  }
0x1d: {  	v1 =	vld [tilespmem:s31+$0x0]  }
0x1e: {  	v2 =	vld [tilespmem:s31+$0x10]  }
0x1f: {  	v3 =	vld [tilespmem:s31+$0x20]  }
0x20: {  	s5 =	simm.s32 $0x80;
	s0 =	simm.s32 $0x400;
	v5 =	vld [tilespmem:s31+$0x30]  }
0x21: {  	s1 =	sand.u32 $0x6000, s5;
	s3 =	simm.s32 $0x10;
	s30 =	sand.u32 $0x1C00, s0;
	v7 =	vld [tilespmem:s31+$0x40];
	v0 =	vmul.f32 $3.125000000e-02, v0  }
0x22: {  	s3 =	sand.u32 $0x380, s3;
	s1 =	sor.u32 s30, s1;
	v4 =	vld [tilespmem:s31+$0x50];
	v1 =	vmul.f32 $3.125000000e-02, v1  }
0x23: {  	s30 =	sor.u32 s3, s1;
	v6 =	vmul.f32 $3.125000000e-02, v2;
	v2 =	vld [tilespmem:s31+$0x60];
	[tilespmem:s31+$0x70] =	vst v0  }
0x24: {  	v8 =	vmul.f32 $3.125000000e-02, v3;
	v0 =	vld [tilespmem:s30+$0x70];
	[tilespmem:s31+$0x0] =	vst v1  }
0x25: {  	v1 =	vld [tilespmem:s30+$0x0];
	[tilespmem:s31+$0x10] =	vst v6;
	v6 =	vmul.f32 $3.125000000e-02, v5  }
0x26: {  	s1 =	simm.s32 $0x8;
	v3 =	vld [tilespmem:s30+$0x10];
	[tilespmem:s31+$0x20] =	vst v8;
	v5 =	vmul.f32 $3.125000000e-02, v7  }
.LBB2_2:
0x27: {  	s1 =	sadd.s32 $0x8, s1;
	v7 =	vld [tilespmem:s30+$0x20];
	[tilespmem:s31+$0x30] =	vst v6;
	v4 =	vmul.f32 $3.125000000e-02, v4  }
0x28: {  	s0 =	sadd.s32 $0x400, s0;
	s3 =	sshll.u32 s1, $0x4;
	p0 =	slt.u32 s1, $0x7F8;
	v6 =	vld [tilespmem:s30+$0x30];
	[tilespmem:s31+$0x40] =	vst v5;
	v2 =	vmul.f32 $3.125000000e-02, v2  }
0x29: {  	s4 =	sand.u32 $0x1C00, s0;
	s5 =	sshll.u32 s1, $0x1;
	s3 =	sand.u32 $0x6000, s3;
	v5 =	vld [tilespmem:s30+$0x40];
	v0 =	vmul.f32 $3.125000000e-02, v0;
	[tilespmem:s31+$0x50] =	vst v4  }
.Ltmp0:
0x2a: {  	s5 =	sand.u32 $0x380, s5;
	s3 =	sor.u32 s4, s3;
	v1 =	vmul.f32 $3.125000000e-02, v1;
	v4 =	vld [tilespmem:s30+$0x50];
	[tilespmem:s31+$0x60] =	vst v2;
	(pc) =	sbr.rel @p0 .LBB2_2-.Ltmp0, $4  }
0x2b: {  	s31 =	smov.u32 s30;
	v3 =	vmul.f32 $3.125000000e-02, v3;
	v2 =	vld [tilespmem:s30+$0x60];
	[tilespmem:s30+$0x70] =	vst v0;
	s30 =	sor.u32 s5, s3  }
0x2c: {  	v0 =	vld [tilespmem:s30+$0x70];
	[tilespmem:s31+$0x0] =	vst v1;
	v7 =	vmul.f32 $3.125000000e-02, v7  }
0x2d: {  	v1 =	vld [tilespmem:s30+$0x0];
	[tilespmem:s31+$0x10] =	vst v3;
	v6 =	vmul.f32 $3.125000000e-02, v6  }
0x2e: {  	v3 =	vld [tilespmem:s30+$0x10];
	[tilespmem:s31+$0x20] =	vst v7;
	v5 =	vmul.f32 $3.125000000e-02, v5  }
0x2f: {  	v7 =	vld [tilespmem:s30+$0x20];
	[tilespmem:s31+$0x30] =	vst v6;
	v4 =	vmul.f32 $3.125000000e-02, v4  }
0x30: {  	v6 =	vld [tilespmem:s30+$0x30];
	[tilespmem:s31+$0x40] =	vst v5;
	v2 =	vmul.f32 $3.125000000e-02, v2  }
0x31: {  	v5 =	vld [tilespmem:s30+$0x40];
	v0 =	vmul.f32 $3.125000000e-02, v0;
	[tilespmem:s31+$0x50] =	vst v4  }
0x32: {  	v4 =	vld [tilespmem:s30+$0x50];
	v1 =	vmul.f32 $3.125000000e-02, v1;
	[tilespmem:s31+$0x60] =	vst v2  }
0x33: {  	v2 =	vmul.f32 $3.125000000e-02, v3;
	v3 =	vld [tilespmem:s30+$0x60];
	[tilespmem:s30+$0x70] =	vst v0  }
0x34: {  	[tilespmem:s30+$0x0] =	vst v1;
	v0 =	vmul.f32 $3.125000000e-02, v7  }
0x35: {  	v1 =	vmul.f32 $3.125000000e-02, v6;
	[tilespmem:s30+$0x10] =	vst v2  }
0x36: {  	[tilespmem:s30+$0x20] =	vst v0;
	v0 =	vmul.f32 $3.125000000e-02, v5  }
0x37: {  	[tilespmem:s30+$0x30] =	vst v1;
	v1 =	vmul.f32 $3.125000000e-02, v4  }
0x38: {  	[tilespmem:s30+$0x40] =	vst v0;
	v0 =	vmul.f32 $3.125000000e-02, v3  }
0x39: {  	[tilespmem:s30+$0x50] =	vst v1  }
0x3a: {  	s0 =	simm.s32 $0x0;
	s1 =	simm.s32 $0x0;
	s3 =	simm.s32 $0x0;
	[tilespmem:s30+$0x60] =	vst v0  }
0x3b: {  	[hbm4b:s6+s0] =	stream.linear.scatter [tilespmem:s0], [sflag:$0x4], $0x8000, $0x38;
	[tilespmem:$0x18000] =	vst v63  }
0x3c: {  	s1 =	sand.u32 $0x6000, s1;
	s0 =	sand.u32 $0x1C00, s0;
	_ =	swait.ge [sflag:s23], $0x8000  }
0x3d: {  	s3 =	sand.u32 $0x380, s3;
	s0 =	sor.u32 s0, s1;
	[sflag:s23] =	ssyncset.done $0x0  }
0x3e: {  	s31 =	sor.u32 s3, s0;
	[sflag:s23] =	ssyncadd.s32 $0xFFFF8000  }
0x3f: {  	v0 =	vld [tilespmem:s31+$0x8070]  }
0x40: {  	v1 =	vld [tilespmem:s31+$0x8000]  }
0x41: {  	v2 =	vld [tilespmem:s31+$0x8010]  }
0x42: {  	v3 =	vld [tilespmem:s31+$0x8020]  }
0x43: {  	s4 =	simm.s32 $0x80;
	s0 =	simm.s32 $0x400;
	v5 =	vld [tilespmem:s31+$0x8030]  }
0x44: {  	s1 =	sand.u32 $0x6000, s4;
	s4 =	simm.s32 $0x10;
	s5 =	sand.u32 $0x1C00, s0;
	v7 =	vld [tilespmem:s31+$0x8040];
	v0 =	vmul.f32 $3.125000000e-02, v0  }
0x45: {  	s4 =	sand.u32 $0x380, s4;
	s1 =	sor.u32 s5, s1;
	v4 =	vld [tilespmem:s31+$0x8050];
	v1 =	vmul.f32 $3.125000000e-02, v1  }
0x46: {  	s30 =	sor.u32 s4, s1;
	v6 =	vmul.f32 $3.125000000e-02, v2;
	v2 =	vld [tilespmem:s31+$0x8060];
	[tilespmem:s31+$0x8070] =	vst v0  }
0x47: {  	v8 =	vmul.f32 $3.125000000e-02, v3;
	v0 =	vld [tilespmem:s30+$0x8070];
	[tilespmem:s31+$0x8000] =	vst v1  }
0x48: {  	v1 =	vld [tilespmem:s30+$0x8000];
	[tilespmem:s31+$0x8010] =	vst v6;
	v6 =	vmul.f32 $3.125000000e-02, v5  }
0x49: {  	s1 =	simm.s32 $0x8;
	v3 =	vld [tilespmem:s30+$0x8010];
	[tilespmem:s31+$0x8020] =	vst v8;
	v5 =	vmul.f32 $3.125000000e-02, v7  }
.LBB2_4:
0x4a: {  	s1 =	sadd.s32 $0x8, s1;
	v7 =	vld [tilespmem:s30+$0x8020];
	[tilespmem:s31+$0x8030] =	vst v6;
	v4 =	vmul.f32 $3.125000000e-02, v4  }
0x4b: {  	s0 =	sadd.s32 $0x400, s0;
	s3 =	sshll.u32 s1, $0x4;
	p0 =	slt.u32 s1, $0x7F8;
	v6 =	vld [tilespmem:s30+$0x8030];
	[tilespmem:s31+$0x8040] =	vst v5;
	v2 =	vmul.f32 $3.125000000e-02, v2  }
0x4c: {  	s4 =	sand.u32 $0x1C00, s0;
	s5 =	sshll.u32 s1, $0x1;
	s3 =	sand.u32 $0x6000, s3;
	v5 =	vld [tilespmem:s30+$0x8040];
	v0 =	vmul.f32 $3.125000000e-02, v0;
	[tilespmem:s31+$0x8050] =	vst v4  }
.Ltmp1:
0x4d: {  	s5 =	sand.u32 $0x380, s5;
	s3 =	sor.u32 s4, s3;
	v1 =	vmul.f32 $3.125000000e-02, v1;
	v4 =	vld [tilespmem:s30+$0x8050];
	[tilespmem:s31+$0x8060] =	vst v2;
	(pc) =	sbr.rel @p0 .LBB2_4-.Ltmp1, $4  }
0x4e: {  	s31 =	smov.u32 s30;
	v3 =	vmul.f32 $3.125000000e-02, v3;
	v2 =	vld [tilespmem:s30+$0x8060];
	[tilespmem:s30+$0x8070] =	vst v0;
	s30 =	sor.u32 s5, s3  }
0x4f: {  	v0 =	vld [tilespmem:s30+$0x8070];
	[tilespmem:s31+$0x8000] =	vst v1;
	v7 =	vmul.f32 $3.125000000e-02, v7  }
0x50: {  	v1 =	vld [tilespmem:s30+$0x8000];
	[tilespmem:s31+$0x8010] =	vst v3;
	v6 =	vmul.f32 $3.125000000e-02, v6  }
0x51: {  	v3 =	vld [tilespmem:s30+$0x8010];
	[tilespmem:s31+$0x8020] =	vst v7;
	v5 =	vmul.f32 $3.125000000e-02, v5  }
0x52: {  	v7 =	vld [tilespmem:s30+$0x8020];
	[tilespmem:s31+$0x8030] =	vst v6;
	v4 =	vmul.f32 $3.125000000e-02, v4  }
0x53: {  	v6 =	vld [tilespmem:s30+$0x8030];
	[tilespmem:s31+$0x8040] =	vst v5;
	v2 =	vmul.f32 $3.125000000e-02, v2  }
0x54: {  	v5 =	vld [tilespmem:s30+$0x8040];
	v0 =	vmul.f32 $3.125000000e-02, v0;
	[tilespmem:s31+$0x8050] =	vst v4  }
0x55: {  	v4 =	vld [tilespmem:s30+$0x8050];
	v1 =	vmul.f32 $3.125000000e-02, v1;
	[tilespmem:s31+$0x8060] =	vst v2  }
0x56: {  	v2 =	vmul.f32 $3.125000000e-02, v3;
	v3 =	vld [tilespmem:s30+$0x8060];
	[tilespmem:s30+$0x8070] =	vst v0  }
0x57: {  	[tilespmem:s30+$0x8000] =	vst v1;
	v0 =	vmul.f32 $3.125000000e-02, v7  }
0x58: {  	v1 =	vmul.f32 $3.125000000e-02, v6;
	[tilespmem:s30+$0x8010] =	vst v2  }
0x59: {  	[tilespmem:s30+$0x8020] =	vst v0;
	v0 =	vmul.f32 $3.125000000e-02, v5  }
0x5a: {  	[tilespmem:s30+$0x8030] =	vst v1;
	v1 =	vmul.f32 $3.125000000e-02, v4  }
0x5b: {  	[tilespmem:s30+$0x8040] =	vst v0;
	v0 =	vmul.f32 $3.125000000e-02, v3  }
0x5c: {  	[tilespmem:s30+$0x8050] =	vst v1  }
0x5d: {  	s0 =	simm.s32 $0x0;
	[tilespmem:s30+$0x8060] =	vst v0  }
0x5e: {  	[hbm4b:s7+s0] =	stream.linear.scatter [tilespmem:s20], [sflag:$0x5], $0x8000, $0x38;
	[tilespmem:$0x18000] =	vst v63  }
0x5f: {  	_ =	swait.ge [sflag:s24], $0x8000  }
0x60: {  	[sflag:s24] =	ssyncset.done $0x0  }
0x61: {  	s1 =	simm.s32 $0x0;
	s3 =	simm.s32 $0x0;
	[sflag:s24] =	ssyncadd.s32 $0xFFFF8000  }
0x62: {  	[tilespmem:s0], [sflag:$0x1] =	stream.linear.gather [hbm4b:s8+s0], $0x8000, $0x38;
	[tilespmem:$0x18000] =	vst v63  }
0x63: {  	s1 =	sand.u32 $0x6000, s1;
	s0 =	sand.u32 $0x1C00, s0;
	_ =	swait.ge [sflag:s25], $0x8000  }
0x64: {  	s3 =	sand.u32 $0x380, s3;
	s0 =	sor.u32 s0, s1;
	[sflag:s25] =	ssyncset.done $0x0  }
0x65: {  	s31 =	sor.u32 s3, s0;
	[sflag:s25] =	ssyncadd.s32 $0xFFFF8000  }
0x66: {  	v0 =	vld [tilespmem:s31+$0x10070]  }
0x67: {  	v1 =	vld [tilespmem:s31+$0x10000]  }
0x68: {  	v2 =	vld [tilespmem:s31+$0x10010]  }
0x69: {  	v3 =	vld [tilespmem:s31+$0x10020]  }
0x6a: {  	s4 =	simm.s32 $0x80;
	s0 =	simm.s32 $0x400;
	v5 =	vld [tilespmem:s31+$0x10030]  }
0x6b: {  	s1 =	sand.u32 $0x6000, s4;
	s4 =	simm.s32 $0x10;
	s5 =	sand.u32 $0x1C00, s0;
	v7 =	vld [tilespmem:s31+$0x10040];
	v0 =	vmul.f32 $3.125000000e-02, v0  }
0x6c: {  	s4 =	sand.u32 $0x380, s4;
	s1 =	sor.u32 s5, s1;
	v4 =	vld [tilespmem:s31+$0x10050];
	v1 =	vmul.f32 $3.125000000e-02, v1  }
0x6d: {  	s30 =	sor.u32 s4, s1;
	v6 =	vmul.f32 $3.125000000e-02, v2;
	v2 =	vld [tilespmem:s31+$0x10060];
	[tilespmem:s31+$0x10070] =	vst v0  }
0x6e: {  	v8 =	vmul.f32 $3.125000000e-02, v3;
	v0 =	vld [tilespmem:s30+$0x10070];
	[tilespmem:s31+$0x10000] =	vst v1  }
0x6f: {  	v1 =	vld [tilespmem:s30+$0x10000];
	[tilespmem:s31+$0x10010] =	vst v6;
	v6 =	vmul.f32 $3.125000000e-02, v5  }
0x70: {  	s1 =	simm.s32 $0x8;
	v3 =	vld [tilespmem:s30+$0x10010];
	[tilespmem:s31+$0x10020] =	vst v8;
	v5 =	vmul.f32 $3.125000000e-02, v7  }
.LBB2_6:
0x71: {  	s1 =	sadd.s32 $0x8, s1;
	v7 =	vld [tilespmem:s30+$0x10020];
	[tilespmem:s31+$0x10030] =	vst v6;
	v4 =	vmul.f32 $3.125000000e-02, v4  }
0x72: {  	s0 =	sadd.s32 $0x400, s0;
	s3 =	sshll.u32 s1, $0x4;
	p0 =	slt.u32 s1, $0x7F8;
	v6 =	vld [tilespmem:s30+$0x10030];
	[tilespmem:s31+$0x10040] =	vst v5;
	v2 =	vmul.f32 $3.125000000e-02, v2  }
0x73: {  	s4 =	sand.u32 $0x1C00, s0;
	s5 =	sshll.u32 s1, $0x1;
	s3 =	sand.u32 $0x6000, s3;
	v5 =	vld [tilespmem:s30+$0x10040];
	v0 =	vmul.f32 $3.125000000e-02, v0;
	[tilespmem:s31+$0x10050] =	vst v4  }
.Ltmp2:
0x74: {  	s5 =	sand.u32 $0x380, s5;
	s3 =	sor.u32 s4, s3;
	v1 =	vmul.f32 $3.125000000e-02, v1;
	v4 =	vld [tilespmem:s30+$0x10050];
	[tilespmem:s31+$0x10060] =	vst v2;
	(pc) =	sbr.rel @p0 .LBB2_6-.Ltmp2, $4  }
0x75: {  	s31 =	smov.u32 s30;
	v3 =	vmul.f32 $3.125000000e-02, v3;
	v2 =	vld [tilespmem:s30+$0x10060];
	[tilespmem:s30+$0x10070] =	vst v0;
	s30 =	sor.u32 s5, s3  }
0x76: {  	v0 =	vld [tilespmem:s30+$0x10070];
	[tilespmem:s31+$0x10000] =	vst v1;
	v7 =	vmul.f32 $3.125000000e-02, v7  }
0x77: {  	v1 =	vld [tilespmem:s30+$0x10000];
	[tilespmem:s31+$0x10010] =	vst v3;
	v6 =	vmul.f32 $3.125000000e-02, v6  }
0x78: {  	v3 =	vld [tilespmem:s30+$0x10010];
	[tilespmem:s31+$0x10020] =	vst v7;
	v5 =	vmul.f32 $3.125000000e-02, v5  }
0x79: {  	v7 =	vld [tilespmem:s30+$0x10020];
	[tilespmem:s31+$0x10030] =	vst v6;
	v4 =	vmul.f32 $3.125000000e-02, v4  }
0x7a: {  	v6 =	vld [tilespmem:s30+$0x10030];
	[tilespmem:s31+$0x10040] =	vst v5;
	v2 =	vmul.f32 $3.125000000e-02, v2  }
0x7b: {  	v5 =	vld [tilespmem:s30+$0x10040];
	v0 =	vmul.f32 $3.125000000e-02, v0;
	[tilespmem:s31+$0x10050] =	vst v4  }
0x7c: {  	v4 =	vld [tilespmem:s30+$0x10050];
	v1 =	vmul.f32 $3.125000000e-02, v1;
	[tilespmem:s31+$0x10060] =	vst v2  }
0x7d: {  	v2 =	vmul.f32 $3.125000000e-02, v3;
	v3 =	vld [tilespmem:s30+$0x10060];
	[tilespmem:s30+$0x10070] =	vst v0  }
0x7e: {  	[tilespmem:s30+$0x10000] =	vst v1;
	v0 =	vmul.f32 $3.125000000e-02, v7  }
0x7f: {  	v1 =	vmul.f32 $3.125000000e-02, v6;
	[tilespmem:s30+$0x10010] =	vst v2  }
0x80: {  	[tilespmem:s30+$0x10020] =	vst v0;
	v0 =	vmul.f32 $3.125000000e-02, v5  }
0x81: {  	[tilespmem:s30+$0x10030] =	vst v1;
	v1 =	vmul.f32 $3.125000000e-02, v4  }
0x82: {  	[tilespmem:s30+$0x10040] =	vst v0;
	v0 =	vmul.f32 $3.125000000e-02, v3  }
0x83: {  	[tilespmem:s30+$0x10050] =	vst v1  }
0x84: {  	s0 =	simm.s32 $0x0;
	[tilespmem:s30+$0x10060] =	vst v0  }
0x85: {  	[hbm4b:s9+s0] =	stream.linear.scatter [tilespmem:s21], [sflag:$0x6], $0x8000, $0x38;
	[tilespmem:$0x18000] =	vst v63  }
0x86: {  	_ =	swait.ge [sflag:s26], $0x8000  }
0x87: {  	[sflag:s26] =	ssyncset.done $0x0  }
0x88: {  	s1 =	simm.s32 $0x0;
	s3 =	simm.s32 $0x0;
	[sflag:s26] =	ssyncadd.s32 $0xFFFF8000  }
0x89: {  	[tilespmem:s20], [sflag:$0x2] =	stream.linear.gather [hbm4b:s10+s0], $0x8000, $0x38;
	[tilespmem:$0x18000] =	vst v63  }
0x8a: {  	s1 =	sand.u32 $0x6000, s1;
	s0 =	sand.u32 $0x1C00, s0;
	_ =	swait.ge [sflag:s22], $0x8000  }
0x8b: {  	s3 =	sand.u32 $0x380, s3;
	s0 =	sor.u32 s0, s1;
	[sflag:s22] =	ssyncset.done $0x0  }
0x8c: {  	s31 =	sor.u32 s3, s0;
	[sflag:s22] =	ssyncadd.s32 $0xFFFF8000  }
0x8d: {  	v0 =	vld [tilespmem:s31+$0x70]  }
0x8e: {  	v1 =	vld [tilespmem:s31+$0x0]  }
0x8f: {  	v2 =	vld [tilespmem:s31+$0x10]  }
0x90: {  	v3 =	vld [tilespmem:s31+$0x20]  }
0x91: {  	s4 =	simm.s32 $0x80;
	s0 =	simm.s32 $0x400;
	v5 =	vld [tilespmem:s31+$0x30]  }
0x92: {  	s1 =	sand.u32 $0x6000, s4;
	s4 =	simm.s32 $0x10;
	s5 =	sand.u32 $0x1C00, s0;
	v7 =	vld [tilespmem:s31+$0x40];
	v0 =	vmul.f32 $3.125000000e-02, v0  }
0x93: {  	s4 =	sand.u32 $0x380, s4;
	s1 =	sor.u32 s5, s1;
	v4 =	vld [tilespmem:s31+$0x50];
	v1 =	vmul.f32 $3.125000000e-02, v1  }
0x94: {  	s30 =	sor.u32 s4, s1;
	v6 =	vmul.f32 $3.125000000e-02, v2;
	v2 =	vld [tilespmem:s31+$0x60];
	[tilespmem:s31+$0x70] =	vst v0  }
0x95: {  	v8 =	vmul.f32 $3.125000000e-02, v3;
	v0 =	vld [tilespmem:s30+$0x70];
	[tilespmem:s31+$0x0] =	vst v1  }
0x96: {  	v1 =	vld [tilespmem:s30+$0x0];
	[tilespmem:s31+$0x10] =	vst v6;
	v6 =	vmul.f32 $3.125000000e-02, v5  }
0x97: {  	s1 =	simm.s32 $0x8;
	v3 =	vld [tilespmem:s30+$0x10];
	[tilespmem:s31+$0x20] =	vst v8;
	v5 =	vmul.f32 $3.125000000e-02, v7  }
.LBB2_8:
0x98: {  	s1 =	sadd.s32 $0x8, s1;
	v7 =	vld [tilespmem:s30+$0x20];
	[tilespmem:s31+$0x30] =	vst v6;
	v4 =	vmul.f32 $3.125000000e-02, v4  }
0x99: {  	s0 =	sadd.s32 $0x400, s0;
	s3 =	sshll.u32 s1, $0x4;
	p0 =	slt.u32 s1, $0x7F8;
	v6 =	vld [tilespmem:s30+$0x30];
	[tilespmem:s31+$0x40] =	vst v5;
	v2 =	vmul.f32 $3.125000000e-02, v2  }
0x9a: {  	s4 =	sand.u32 $0x1C00, s0;
	s5 =	sshll.u32 s1, $0x1;
	s3 =	sand.u32 $0x6000, s3;
	v5 =	vld [tilespmem:s30+$0x40];
	v0 =	vmul.f32 $3.125000000e-02, v0;
	[tilespmem:s31+$0x50] =	vst v4  }
.Ltmp3:
0x9b: {  	s5 =	sand.u32 $0x380, s5;
	s3 =	sor.u32 s4, s3;
	v1 =	vmul.f32 $3.125000000e-02, v1;
	v4 =	vld [tilespmem:s30+$0x50];
	[tilespmem:s31+$0x60] =	vst v2;
	(pc) =	sbr.rel @p0 .LBB2_8-.Ltmp3, $4  }
0x9c: {  	s31 =	smov.u32 s30;
	v3 =	vmul.f32 $3.125000000e-02, v3;
	v2 =	vld [tilespmem:s30+$0x60];
	[tilespmem:s30+$0x70] =	vst v0;
	s30 =	sor.u32 s5, s3  }
0x9d: {  	v0 =	vld [tilespmem:s30+$0x70];
	[tilespmem:s31+$0x0] =	vst v1;
	v7 =	vmul.f32 $3.125000000e-02, v7  }
0x9e: {  	v1 =	vld [tilespmem:s30+$0x0];
	[tilespmem:s31+$0x10] =	vst v3;
	v6 =	vmul.f32 $3.125000000e-02, v6  }
0x9f: {  	v3 =	vld [tilespmem:s30+$0x10];
	[tilespmem:s31+$0x20] =	vst v7;
	v5 =	vmul.f32 $3.125000000e-02, v5  }
0xa0: {  	v7 =	vld [tilespmem:s30+$0x20];
	[tilespmem:s31+$0x30] =	vst v6;
	v4 =	vmul.f32 $3.125000000e-02, v4  }
0xa1: {  	v6 =	vld [tilespmem:s30+$0x30];
	[tilespmem:s31+$0x40] =	vst v5;
	v2 =	vmul.f32 $3.125000000e-02, v2  }
0xa2: {  	v5 =	vld [tilespmem:s30+$0x40];
	v0 =	vmul.f32 $3.125000000e-02, v0;
	[tilespmem:s31+$0x50] =	vst v4  }
0xa3: {  	v4 =	vld [tilespmem:s30+$0x50];
	v1 =	vmul.f32 $3.125000000e-02, v1;
	[tilespmem:s31+$0x60] =	vst v2  }
0xa4: {  	v2 =	vmul.f32 $3.125000000e-02, v3;
	v3 =	vld [tilespmem:s30+$0x60];
	[tilespmem:s30+$0x70] =	vst v0  }
0xa5: {  	[tilespmem:s30+$0x0] =	vst v1;
	v0 =	vmul.f32 $3.125000000e-02, v7  }
0xa6: {  	v1 =	vmul.f32 $3.125000000e-02, v6;
	[tilespmem:s30+$0x10] =	vst v2  }
0xa7: {  	[tilespmem:s30+$0x20] =	vst v0;
	v0 =	vmul.f32 $3.125000000e-02, v5  }
0xa8: {  	[tilespmem:s30+$0x30] =	vst v1;
	v1 =	vmul.f32 $3.125000000e-02, v4  }
0xa9: {  	[tilespmem:s30+$0x40] =	vst v0;
	v0 =	vmul.f32 $3.125000000e-02, v3  }
0xaa: {  	[tilespmem:s30+$0x50] =	vst v1  }
0xab: {  	s0 =	simm.s32 $0x0;
	[tilespmem:s30+$0x60] =	vst v0  }
0xac: {  	[hbm4b:s11+s0] =	stream.linear.scatter [tilespmem:s0], [sflag:$0x4], $0x8000, $0x38;
	[tilespmem:$0x18000] =	vst v63  }
0xad: {  	_ =	swait.ge [sflag:s28], $0x8000  }
0xae: {  	[sflag:s28] =	ssyncset.done $0x0  }
0xaf: {  	s1 =	simm.s32 $0x0;
	s3 =	simm.s32 $0x0;
	[sflag:s28] =	ssyncadd.s32 $0xFFFF8000  }
0xb0: {  	[tilespmem:s21], [sflag:$0x3] =	stream.linear.gather [hbm4b:s12+s0], $0x8000, $0x38;
	[tilespmem:$0x18000] =	vst v63  }
0xb1: {  	s1 =	sand.u32 $0x6000, s1;
	s0 =	sand.u32 $0x1C00, s0;
	_ =	swait.ge [sflag:s23], $0x8000  }
0xb2: {  	s3 =	sand.u32 $0x380, s3;
	s0 =	sor.u32 s0, s1;
	[sflag:s23] =	ssyncset.done $0x0  }
0xb3: {  	s31 =	sor.u32 s3, s0;
	[sflag:s23] =	ssyncadd.s32 $0xFFFF8000  }
0xb4: {  	v0 =	vld [tilespmem:s31+$0x8070]  }
0xb5: {  	v1 =	vld [tilespmem:s31+$0x8000]  }
0xb6: {  	v2 =	vld [tilespmem:s31+$0x8010]  }
0xb7: {  	v3 =	vld [tilespmem:s31+$0x8020]  }
0xb8: {  	s4 =	simm.s32 $0x80;
	s0 =	simm.s32 $0x400;
	v5 =	vld [tilespmem:s31+$0x8030]  }
0xb9: {  	s1 =	sand.u32 $0x6000, s4;
	s4 =	simm.s32 $0x10;
	s5 =	sand.u32 $0x1C00, s0;
	v7 =	vld [tilespmem:s31+$0x8040];
	v0 =	vmul.f32 $3.125000000e-02, v0  }
0xba: {  	s4 =	sand.u32 $0x380, s4;
	s1 =	sor.u32 s5, s1;
	v4 =	vld [tilespmem:s31+$0x8050];
	v1 =	vmul.f32 $3.125000000e-02, v1  }
0xbb: {  	s30 =	sor.u32 s4, s1;
	v6 =	vmul.f32 $3.125000000e-02, v2;
	v2 =	vld [tilespmem:s31+$0x8060];
	[tilespmem:s31+$0x8070] =	vst v0  }
0xbc: {  	v8 =	vmul.f32 $3.125000000e-02, v3;
	v0 =	vld [tilespmem:s30+$0x8070];
	[tilespmem:s31+$0x8000] =	vst v1  }
0xbd: {  	v1 =	vld [tilespmem:s30+$0x8000];
	[tilespmem:s31+$0x8010] =	vst v6;
	v6 =	vmul.f32 $3.125000000e-02, v5  }
0xbe: {  	s1 =	simm.s32 $0x8;
	v3 =	vld [tilespmem:s30+$0x8010];
	[tilespmem:s31+$0x8020] =	vst v8;
	v5 =	vmul.f32 $3.125000000e-02, v7  }
.LBB2_10:
0xbf: {  	s1 =	sadd.s32 $0x8, s1;
	v7 =	vld [tilespmem:s30+$0x8020];
	[tilespmem:s31+$0x8030] =	vst v6;
	v4 =	vmul.f32 $3.125000000e-02, v4  }
0xc0: {  	s0 =	sadd.s32 $0x400, s0;
	s3 =	sshll.u32 s1, $0x4;
	p0 =	slt.u32 s1, $0x7F8;
	v6 =	vld [tilespmem:s30+$0x8030];
	[tilespmem:s31+$0x8040] =	vst v5;
	v2 =	vmul.f32 $3.125000000e-02, v2  }
0xc1: {  	s4 =	sand.u32 $0x1C00, s0;
	s5 =	sshll.u32 s1, $0x1;
	s3 =	sand.u32 $0x6000, s3;
	v5 =	vld [tilespmem:s30+$0x8040];
	v0 =	vmul.f32 $3.125000000e-02, v0;
	[tilespmem:s31+$0x8050] =	vst v4  }
.Ltmp4:
0xc2: {  	s5 =	sand.u32 $0x380, s5;
	s3 =	sor.u32 s4, s3;
	v1 =	vmul.f32 $3.125000000e-02, v1;
	v4 =	vld [tilespmem:s30+$0x8050];
	[tilespmem:s31+$0x8060] =	vst v2;
	(pc) =	sbr.rel @p0 .LBB2_10-.Ltmp4, $4  }
0xc3: {  	s31 =	smov.u32 s30;
	v3 =	vmul.f32 $3.125000000e-02, v3;
	v2 =	vld [tilespmem:s30+$0x8060];
	[tilespmem:s30+$0x8070] =	vst v0;
	s30 =	sor.u32 s5, s3  }
0xc4: {  	v0 =	vld [tilespmem:s30+$0x8070];
	[tilespmem:s31+$0x8000] =	vst v1;
	v7 =	vmul.f32 $3.125000000e-02, v7  }
0xc5: {  	v1 =	vld [tilespmem:s30+$0x8000];
	[tilespmem:s31+$0x8010] =	vst v3;
	v6 =	vmul.f32 $3.125000000e-02, v6  }
0xc6: {  	v3 =	vld [tilespmem:s30+$0x8010];
	[tilespmem:s31+$0x8020] =	vst v7;
	v5 =	vmul.f32 $3.125000000e-02, v5  }
0xc7: {  	v7 =	vld [tilespmem:s30+$0x8020];
	[tilespmem:s31+$0x8030] =	vst v6;
	v4 =	vmul.f32 $3.125000000e-02, v4  }
0xc8: {  	v6 =	vld [tilespmem:s30+$0x8030];
	[tilespmem:s31+$0x8040] =	vst v5;
	v2 =	vmul.f32 $3.125000000e-02, v2  }
0xc9: {  	v5 =	vld [tilespmem:s30+$0x8040];
	v0 =	vmul.f32 $3.125000000e-02, v0;
	[tilespmem:s31+$0x8050] =	vst v4  }
0xca: {  	v4 =	vld [tilespmem:s30+$0x8050];
	v1 =	vmul.f32 $3.125000000e-02, v1;
	[tilespmem:s31+$0x8060] =	vst v2  }
0xcb: {  	v2 =	vmul.f32 $3.125000000e-02, v3;
	v3 =	vld [tilespmem:s30+$0x8060];
	[tilespmem:s30+$0x8070] =	vst v0  }
0xcc: {  	[tilespmem:s30+$0x8000] =	vst v1;
	v0 =	vmul.f32 $3.125000000e-02, v7  }
0xcd: {  	v1 =	vmul.f32 $3.125000000e-02, v6;
	[tilespmem:s30+$0x8010] =	vst v2  }
0xce: {  	[tilespmem:s30+$0x8020] =	vst v0;
	v0 =	vmul.f32 $3.125000000e-02, v5  }
0xcf: {  	[tilespmem:s30+$0x8030] =	vst v1;
	v1 =	vmul.f32 $3.125000000e-02, v4  }
0xd0: {  	[tilespmem:s30+$0x8040] =	vst v0;
	v0 =	vmul.f32 $3.125000000e-02, v3  }
0xd1: {  	[tilespmem:s30+$0x8050] =	vst v1  }
0xd2: {  	s0 =	simm.s32 $0x0;
	[tilespmem:s30+$0x8060] =	vst v0  }
0xd3: {  	[hbm4b:s13+s0] =	stream.linear.scatter [tilespmem:s20], [sflag:$0x5], $0x8000, $0x38;
	[tilespmem:$0x18000] =	vst v63  }
0xd4: {  	_ =	swait.ge [sflag:s24], $0x8000  }
0xd5: {  	[sflag:s24] =	ssyncset.done $0x0  }
0xd6: {  	s1 =	simm.s32 $0x0;
	s3 =	simm.s32 $0x0;
	[sflag:s24] =	ssyncadd.s32 $0xFFFF8000  }
0xd7: {  	[tilespmem:s0], [sflag:$0x1] =	stream.linear.gather [hbm4b:s14+s0], $0x8000, $0x38;
	[tilespmem:$0x18000] =	vst v63  }
0xd8: {  	s1 =	sand.u32 $0x6000, s1;
	s0 =	sand.u32 $0x1C00, s0;
	_ =	swait.ge [sflag:s25], $0x8000  }
0xd9: {  	s3 =	sand.u32 $0x380, s3;
	s0 =	sor.u32 s0, s1;
	[sflag:s25] =	ssyncset.done $0x0  }
0xda: {  	s31 =	sor.u32 s3, s0;
	[sflag:s25] =	ssyncadd.s32 $0xFFFF8000  }
0xdb: {  	v0 =	vld [tilespmem:s31+$0x10070]  }
0xdc: {  	v1 =	vld [tilespmem:s31+$0x10000]  }
0xdd: {  	v2 =	vld [tilespmem:s31+$0x10010]  }
0xde: {  	v3 =	vld [tilespmem:s31+$0x10020]  }
0xdf: {  	s4 =	simm.s32 $0x80;
	s0 =	simm.s32 $0x400;
	v5 =	vld [tilespmem:s31+$0x10030]  }
0xe0: {  	s1 =	sand.u32 $0x6000, s4;
	s4 =	simm.s32 $0x10;
	s5 =	sand.u32 $0x1C00, s0;
	v7 =	vld [tilespmem:s31+$0x10040];
	v0 =	vmul.f32 $3.125000000e-02, v0  }
0xe1: {  	s4 =	sand.u32 $0x380, s4;
	s1 =	sor.u32 s5, s1;
	v4 =	vld [tilespmem:s31+$0x10050];
	v1 =	vmul.f32 $3.125000000e-02, v1  }
0xe2: {  	s30 =	sor.u32 s4, s1;
	v6 =	vmul.f32 $3.125000000e-02, v2;
	v2 =	vld [tilespmem:s31+$0x10060];
	[tilespmem:s31+$0x10070] =	vst v0  }
0xe3: {  	v8 =	vmul.f32 $3.125000000e-02, v3;
	v0 =	vld [tilespmem:s30+$0x10070];
	[tilespmem:s31+$0x10000] =	vst v1  }
0xe4: {  	v1 =	vld [tilespmem:s30+$0x10000];
	[tilespmem:s31+$0x10010] =	vst v6;
	v6 =	vmul.f32 $3.125000000e-02, v5  }
0xe5: {  	s1 =	simm.s32 $0x8;
	v3 =	vld [tilespmem:s30+$0x10010];
	[tilespmem:s31+$0x10020] =	vst v8;
	v5 =	vmul.f32 $3.125000000e-02, v7  }
.LBB2_12:
0xe6: {  	s1 =	sadd.s32 $0x8, s1;
	v7 =	vld [tilespmem:s30+$0x10020];
	[tilespmem:s31+$0x10030] =	vst v6;
	v4 =	vmul.f32 $3.125000000e-02, v4  }
0xe7: {  	s0 =	sadd.s32 $0x400, s0;
	s3 =	sshll.u32 s1, $0x4;
	p0 =	slt.u32 s1, $0x7F8;
	v6 =	vld [tilespmem:s30+$0x10030];
	[tilespmem:s31+$0x10040] =	vst v5;
	v2 =	vmul.f32 $3.125000000e-02, v2  }
0xe8: {  	s4 =	sand.u32 $0x1C00, s0;
	s5 =	sshll.u32 s1, $0x1;
	s3 =	sand.u32 $0x6000, s3;
	v5 =	vld [tilespmem:s30+$0x10040];
	v0 =	vmul.f32 $3.125000000e-02, v0;
	[tilespmem:s31+$0x10050] =	vst v4  }
.Ltmp5:
0xe9: {  	s5 =	sand.u32 $0x380, s5;
	s3 =	sor.u32 s4, s3;
	v1 =	vmul.f32 $3.125000000e-02, v1;
	v4 =	vld [tilespmem:s30+$0x10050];
	[tilespmem:s31+$0x10060] =	vst v2;
	(pc) =	sbr.rel @p0 .LBB2_12-.Ltmp5, $4  }
0xea: {  	s31 =	smov.u32 s30;
	v3 =	vmul.f32 $3.125000000e-02, v3;
	v2 =	vld [tilespmem:s30+$0x10060];
	[tilespmem:s30+$0x10070] =	vst v0;
	s30 =	sor.u32 s5, s3  }
0xeb: {  	v0 =	vld [tilespmem:s30+$0x10070];
	[tilespmem:s31+$0x10000] =	vst v1;
	v7 =	vmul.f32 $3.125000000e-02, v7  }
0xec: {  	v1 =	vld [tilespmem:s30+$0x10000];
	[tilespmem:s31+$0x10010] =	vst v3;
	v6 =	vmul.f32 $3.125000000e-02, v6  }
0xed: {  	v3 =	vld [tilespmem:s30+$0x10010];
	[tilespmem:s31+$0x10020] =	vst v7;
	v5 =	vmul.f32 $3.125000000e-02, v5  }
0xee: {  	v7 =	vld [tilespmem:s30+$0x10020];
	[tilespmem:s31+$0x10030] =	vst v6;
	v4 =	vmul.f32 $3.125000000e-02, v4  }
0xef: {  	v6 =	vld [tilespmem:s30+$0x10030];
	[tilespmem:s31+$0x10040] =	vst v5;
	v2 =	vmul.f32 $3.125000000e-02, v2  }
0xf0: {  	v5 =	vld [tilespmem:s30+$0x10040];
	v0 =	vmul.f32 $3.125000000e-02, v0;
	[tilespmem:s31+$0x10050] =	vst v4  }
0xf1: {  	v4 =	vld [tilespmem:s30+$0x10050];
	v1 =	vmul.f32 $3.125000000e-02, v1;
	[tilespmem:s31+$0x10060] =	vst v2  }
0xf2: {  	v2 =	vmul.f32 $3.125000000e-02, v3;
	v3 =	vld [tilespmem:s30+$0x10060];
	[tilespmem:s30+$0x10070] =	vst v0  }
0xf3: {  	[tilespmem:s30+$0x10000] =	vst v1;
	v0 =	vmul.f32 $3.125000000e-02, v7  }
0xf4: {  	v1 =	vmul.f32 $3.125000000e-02, v6;
	[tilespmem:s30+$0x10010] =	vst v2  }
0xf5: {  	[tilespmem:s30+$0x10020] =	vst v0;
	v0 =	vmul.f32 $3.125000000e-02, v5  }
0xf6: {  	[tilespmem:s30+$0x10030] =	vst v1;
	v1 =	vmul.f32 $3.125000000e-02, v4  }
0xf7: {  	[tilespmem:s30+$0x10040] =	vst v0;
	v0 =	vmul.f32 $3.125000000e-02, v3  }
0xf8: {  	[tilespmem:s30+$0x10050] =	vst v1  }
0xf9: {  	s0 =	simm.s32 $0x0;
	[tilespmem:s30+$0x10060] =	vst v0  }
0xfa: {  	[hbm4b:s15+s0] =	stream.linear.scatter [tilespmem:s21], [sflag:$0x6], $0x8000, $0x38;
	[tilespmem:$0x18000] =	vst v63  }
0xfb: {  	_ =	swait.ge [sflag:s26], $0x8000  }
0xfc: {  	[sflag:s26] =	ssyncset.done $0x0  }
0xfd: {  	s1 =	simm.s32 $0x0;
	s3 =	simm.s32 $0x0;
	[sflag:s26] =	ssyncadd.s32 $0xFFFF8000  }
0xfe: {  	[tilespmem:s20], [sflag:$0x2] =	stream.linear.gather [hbm4b:s16+s0], $0x8000, $0x38;
	[tilespmem:$0x18000] =	vst v63  }
0xff: {  	s1 =	sand.u32 $0x6000, s1;
	s0 =	sand.u32 $0x1C00, s0;
	_ =	swait.ge [sflag:s22], $0x8000  }
0x100: {  	s3 =	sand.u32 $0x380, s3;
	s0 =	sor.u32 s0, s1;
	[sflag:s22] =	ssyncset.done $0x0  }
0x101: {  	s31 =	sor.u32 s3, s0;
	[sflag:s22] =	ssyncadd.s32 $0xFFFF8000  }
0x102: {  	v0 =	vld [tilespmem:s31+$0x70]  }
0x103: {  	v1 =	vld [tilespmem:s31+$0x0]  }
0x104: {  	v2 =	vld [tilespmem:s31+$0x10]  }
0x105: {  	v3 =	vld [tilespmem:s31+$0x20]  }
0x106: {  	s4 =	simm.s32 $0x80;
	s0 =	simm.s32 $0x400;
	v5 =	vld [tilespmem:s31+$0x30]  }
0x107: {  	s1 =	sand.u32 $0x6000, s4;
	s4 =	simm.s32 $0x10;
	s5 =	sand.u32 $0x1C00, s0;
	v7 =	vld [tilespmem:s31+$0x40];
	v0 =	vmul.f32 $3.125000000e-02, v0  }
0x108: {  	s4 =	sand.u32 $0x380, s4;
	s1 =	sor.u32 s5, s1;
	v4 =	vld [tilespmem:s31+$0x50];
	v1 =	vmul.f32 $3.125000000e-02, v1  }
0x109: {  	s30 =	sor.u32 s4, s1;
	v6 =	vmul.f32 $3.125000000e-02, v2;
	v2 =	vld [tilespmem:s31+$0x60];
	[tilespmem:s31+$0x70] =	vst v0  }
0x10a: {  	v8 =	vmul.f32 $3.125000000e-02, v3;
	v0 =	vld [tilespmem:s30+$0x70];
	[tilespmem:s31+$0x0] =	vst v1  }
0x10b: {  	v1 =	vld [tilespmem:s30+$0x0];
	[tilespmem:s31+$0x10] =	vst v6;
	v6 =	vmul.f32 $3.125000000e-02, v5  }
0x10c: {  	s1 =	simm.s32 $0x8;
	v3 =	vld [tilespmem:s30+$0x10];
	[tilespmem:s31+$0x20] =	vst v8;
	v5 =	vmul.f32 $3.125000000e-02, v7  }
.LBB2_14:
0x10d: {  	s1 =	sadd.s32 $0x8, s1;
	v7 =	vld [tilespmem:s30+$0x20];
	[tilespmem:s31+$0x30] =	vst v6;
	v4 =	vmul.f32 $3.125000000e-02, v4  }
0x10e: {  	s0 =	sadd.s32 $0x400, s0;
	s3 =	sshll.u32 s1, $0x4;
	p0 =	slt.u32 s1, $0x7F8;
	v6 =	vld [tilespmem:s30+$0x30];
	[tilespmem:s31+$0x40] =	vst v5;
	v2 =	vmul.f32 $3.125000000e-02, v2  }
0x10f: {  	s4 =	sand.u32 $0x1C00, s0;
	s5 =	sshll.u32 s1, $0x1;
	s3 =	sand.u32 $0x6000, s3;
	v5 =	vld [tilespmem:s30+$0x40];
	v0 =	vmul.f32 $3.125000000e-02, v0;
	[tilespmem:s31+$0x50] =	vst v4  }
.Ltmp6:
0x110: {  	s5 =	sand.u32 $0x380, s5;
	s3 =	sor.u32 s4, s3;
	v1 =	vmul.f32 $3.125000000e-02, v1;
	v4 =	vld [tilespmem:s30+$0x50];
	[tilespmem:s31+$0x60] =	vst v2;
	(pc) =	sbr.rel @p0 .LBB2_14-.Ltmp6, $4  }
0x111: {  	s31 =	smov.u32 s30;
	v3 =	vmul.f32 $3.125000000e-02, v3;
	v2 =	vld [tilespmem:s30+$0x60];
	[tilespmem:s30+$0x70] =	vst v0;
	s30 =	sor.u32 s5, s3  }
0x112: {  	v0 =	vld [tilespmem:s30+$0x70];
	[tilespmem:s31+$0x0] =	vst v1;
	v7 =	vmul.f32 $3.125000000e-02, v7  }
0x113: {  	v1 =	vld [tilespmem:s30+$0x0];
	[tilespmem:s31+$0x10] =	vst v3;
	v6 =	vmul.f32 $3.125000000e-02, v6  }
0x114: {  	v3 =	vld [tilespmem:s30+$0x10];
	[tilespmem:s31+$0x20] =	vst v7;
	v5 =	vmul.f32 $3.125000000e-02, v5  }
0x115: {  	v7 =	vld [tilespmem:s30+$0x20];
	[tilespmem:s31+$0x30] =	vst v6;
	v4 =	vmul.f32 $3.125000000e-02, v4  }
0x116: {  	v6 =	vld [tilespmem:s30+$0x30];
	[tilespmem:s31+$0x40] =	vst v5;
	v2 =	vmul.f32 $3.125000000e-02, v2  }
0x117: {  	v5 =	vld [tilespmem:s30+$0x40];
	v0 =	vmul.f32 $3.125000000e-02, v0;
	[tilespmem:s31+$0x50] =	vst v4  }
0x118: {  	v4 =	vld [tilespmem:s30+$0x50];
	v1 =	vmul.f32 $3.125000000e-02, v1;
	[tilespmem:s31+$0x60] =	vst v2  }
0x119: {  	v2 =	vmul.f32 $3.125000000e-02, v3;
	v3 =	vld [tilespmem:s30+$0x60];
	[tilespmem:s30+$0x70] =	vst v0  }
0x11a: {  	[tilespmem:s30+$0x0] =	vst v1;
	v0 =	vmul.f32 $3.125000000e-02, v7  }
0x11b: {  	v1 =	vmul.f32 $3.125000000e-02, v6;
	[tilespmem:s30+$0x10] =	vst v2  }
0x11c: {  	[tilespmem:s30+$0x20] =	vst v0;
	v0 =	vmul.f32 $3.125000000e-02, v5  }
0x11d: {  	[tilespmem:s30+$0x30] =	vst v1;
	v1 =	vmul.f32 $3.125000000e-02, v4  }
0x11e: {  	[tilespmem:s30+$0x40] =	vst v0;
	v0 =	vmul.f32 $3.125000000e-02, v3  }
0x11f: {  	[tilespmem:s30+$0x50] =	vst v1  }
0x120: {  	s0 =	simm.s32 $0x0;
	s1 =	simm.s32 $0x0;
	s3 =	simm.s32 $0x0;
	[tilespmem:s30+$0x60] =	vst v0  }
0x121: {  	[hbm4b:s17+s0] =	stream.linear.scatter [tilespmem:s0], [sflag:$0x4], $0x8000, $0x38;
	[tilespmem:$0x18000] =	vst v63  }
0x122: {  	s1 =	sand.u32 $0x6000, s1;
	s0 =	sand.u32 $0x1C00, s0;
	_ =	swait.ge [sflag:s23], $0x8000  }
0x123: {  	s3 =	sand.u32 $0x380, s3;
	s0 =	sor.u32 s0, s1;
	[sflag:s23] =	ssyncset.done $0x0  }
0x124: {  	s31 =	sor.u32 s3, s0;
	[sflag:s23] =	ssyncadd.s32 $0xFFFF8000  }
0x125: {  	v0 =	vld [tilespmem:s31+$0x8070]  }
0x126: {  	v1 =	vld [tilespmem:s31+$0x8000]  }
0x127: {  	v2 =	vld [tilespmem:s31+$0x8010]  }
0x128: {  	v3 =	vld [tilespmem:s31+$0x8020]  }
0x129: {  	s4 =	simm.s32 $0x80;
	s0 =	simm.s32 $0x400;
	v5 =	vld [tilespmem:s31+$0x8030]  }
0x12a: {  	s1 =	sand.u32 $0x6000, s4;
	s4 =	simm.s32 $0x10;
	s5 =	sand.u32 $0x1C00, s0;
	v7 =	vld [tilespmem:s31+$0x8040];
	v0 =	vmul.f32 $3.125000000e-02, v0  }
0x12b: {  	s4 =	sand.u32 $0x380, s4;
	s1 =	sor.u32 s5, s1;
	v4 =	vld [tilespmem:s31+$0x8050];
	v1 =	vmul.f32 $3.125000000e-02, v1  }
0x12c: {  	s30 =	sor.u32 s4, s1;
	v6 =	vmul.f32 $3.125000000e-02, v2;
	v2 =	vld [tilespmem:s31+$0x8060];
	[tilespmem:s31+$0x8070] =	vst v0  }
0x12d: {  	v8 =	vmul.f32 $3.125000000e-02, v3;
	v0 =	vld [tilespmem:s30+$0x8070];
	[tilespmem:s31+$0x8000] =	vst v1  }
0x12e: {  	v1 =	vld [tilespmem:s30+$0x8000];
	[tilespmem:s31+$0x8010] =	vst v6;
	v6 =	vmul.f32 $3.125000000e-02, v5  }
0x12f: {  	s1 =	simm.s32 $0x8;
	v3 =	vld [tilespmem:s30+$0x8010];
	[tilespmem:s31+$0x8020] =	vst v8;
	v5 =	vmul.f32 $3.125000000e-02, v7  }
.LBB2_16:
0x130: {  	s1 =	sadd.s32 $0x8, s1;
	v7 =	vld [tilespmem:s30+$0x8020];
	[tilespmem:s31+$0x8030] =	vst v6;
	v4 =	vmul.f32 $3.125000000e-02, v4  }
0x131: {  	s0 =	sadd.s32 $0x400, s0;
	s3 =	sshll.u32 s1, $0x4;
	p0 =	slt.u32 s1, $0x7F8;
	v6 =	vld [tilespmem:s30+$0x8030];
	[tilespmem:s31+$0x8040] =	vst v5;
	v2 =	vmul.f32 $3.125000000e-02, v2  }
0x132: {  	s4 =	sand.u32 $0x1C00, s0;
	s5 =	sshll.u32 s1, $0x1;
	s3 =	sand.u32 $0x6000, s3;
	v5 =	vld [tilespmem:s30+$0x8040];
	v0 =	vmul.f32 $3.125000000e-02, v0;
	[tilespmem:s31+$0x8050] =	vst v4  }
.Ltmp7:
0x133: {  	s5 =	sand.u32 $0x380, s5;
	s3 =	sor.u32 s4, s3;
	v1 =	vmul.f32 $3.125000000e-02, v1;
	v4 =	vld [tilespmem:s30+$0x8050];
	[tilespmem:s31+$0x8060] =	vst v2;
	(pc) =	sbr.rel @p0 .LBB2_16-.Ltmp7, $4  }
0x134: {  	s31 =	smov.u32 s30;
	v3 =	vmul.f32 $3.125000000e-02, v3;
	v2 =	vld [tilespmem:s30+$0x8060];
	[tilespmem:s30+$0x8070] =	vst v0;
	s30 =	sor.u32 s5, s3  }
0x135: {  	v0 =	vld [tilespmem:s30+$0x8070];
	[tilespmem:s31+$0x8000] =	vst v1;
	v7 =	vmul.f32 $3.125000000e-02, v7  }
0x136: {  	v1 =	vld [tilespmem:s30+$0x8000];
	[tilespmem:s31+$0x8010] =	vst v3;
	v6 =	vmul.f32 $3.125000000e-02, v6  }
0x137: {  	v3 =	vld [tilespmem:s30+$0x8010];
	[tilespmem:s31+$0x8020] =	vst v7;
	v5 =	vmul.f32 $3.125000000e-02, v5  }
0x138: {  	v7 =	vld [tilespmem:s30+$0x8020];
	[tilespmem:s31+$0x8030] =	vst v6;
	v4 =	vmul.f32 $3.125000000e-02, v4  }
0x139: {  	v54 =	vld [tilespmem:s30+$0x8030];
	[tilespmem:s31+$0x8040] =	vst v5;
	v2 =	vmul.f32 $3.125000000e-02, v2  }
0x13a: {  	v55 =	vld [tilespmem:s30+$0x8040];
	v0 =	vmul.f32 $3.125000000e-02, v0;
	[tilespmem:s31+$0x8050] =	vst v4  }
0x13b: {  	v56 =	vld [tilespmem:s30+$0x8050];
	v1 =	vmul.f32 $3.125000000e-02, v1;
	[tilespmem:s31+$0x8060] =	vst v2  }
0x13c: {  	v58 =	vld [tilespmem:s30+$0x8060];
	v57 =	vmul.f32 $3.125000000e-02, v3;
	[tilespmem:s30+$0x8070] =	vst v0  }
0x13d: {  	[tilespmem:s30+$0x8000] =	vst v1;
	v59 =	vmul.f32 $3.125000000e-02, v7  }
0x13e: {  	v60 =	vmul.f32 $3.125000000e-02, v54;
	[tilespmem:s30+$0x8010] =	vst v57  }
0x13f: {  	v61 =	vmul.f32 $3.125000000e-02, v55;
	[tilespmem:s30+$0x8020] =	vst v59  }
0x140: {  	v62 =	vmul.f32 $3.125000000e-02, v56;
	[tilespmem:s30+$0x8030] =	vst v60  }
0x141: {  	v63 =	vmul.f32 $3.125000000e-02, v58;
	[tilespmem:s30+$0x8040] =	vst v61  }
0x142: {  	[tilespmem:s30+$0x8050] =	vst v62  }
0x143: {  	[tilespmem:s30+$0x8060] =	vst v63  }
0x144: {  	[hbm4b:s18+s2] =	stream.linear.scatter [tilespmem:s20], [sflag:$0x5], $0x8000, $0x38;
	[tilespmem:$0x18000] =	vst v63  }
0x145: {  	_ =	swait.ge [sflag:s28], $0x8000  }
0x146: {  	[sflag:s28] =	ssyncset.done $0x0  }
0x147: {  	s29 =	sadd.s32 $0x1, s29;
	[sflag:s28] =	ssyncadd.s32 $0xFFFF8000  }
0x148: {  	p0 =	sne.s32 s29, s19;
	_ =	swait.ge [sflag:s24], $0x8000  }
.Ltmp8:
0x149: {  	[sflag:s24] =	ssyncset.done $0x0;
	(pc) =	sbr.rel @p0 .LBB2_1-.Ltmp8, $4  }
0x14a: {  	[sflag:s24] =	ssyncadd.s32 $0xFFFF8000  }
0x14b: {  	_ =	swait.ge [sflag:s26], $0x8000  }
0x14c: {  	[sflag:s26] =	ssyncset.done $0x0  }
0x14d: {  	[sflag:s26] =	ssyncadd.s32 $0xFFFF8000  }
0x14e: {  	_ =	sfence.sel $0x180000  }
0x14f: {  	[bflag:$0x0] =	sbarrier.arrive $0xFFFF  }
0x150: {  	_ =	strace $0x90000047  }
0x151: {  	s0 =	stileid.u32;
	[bflag:$0x2] =	sbarrier.arrive $0xFFFF  }
0x152: {  	p0 =	sne.s32 s0, $0x0;
	s0 =	rddreg [dreg:$0x2]  }
0x153: {  	s0 =	sadd.s32 @!p0 $0x100000, s0  }
0x154: {  	[sflag:s0] =	ssyncadd.tile.s32 @!p0 $0x1;
	_ =	shalt  }
.Lfunc_end2:
_tile_overlayer_lowered:
.L_overlay_start_2:
0x155: {  	(tag) =	ssettag $0x2  }
0x156: {  	s0 =	rddreg [dreg:$0x0];
	s2 =	stileid.u32  }
0x157: {  	s1 =	rddreg [dreg:$0x1];
	p0 =	sne.s32 s2, $0x0  }
0x158: {  	s3 =	rddreg [dreg:$0x2];
	[bflag:$0x3] =	sbarrier.arrive $0xFFFF;
	s2 =	simm.s32 @!p0 $0x1C07  }
0x159: {  	[timem:s3], [sflag:s2] =	dma.local @!p0 [hbm:s0], s1  }
0x15a: {  	s0 =	simm.s32 @!p0 $0x7  }
0x15b: {  	_ =	swait.ge @!p0 [sflag:s0], s1  }
0x15c: {  	s1 =	ssub.s32 @!p0 $0x0, s1;
	[sflag:s0] =	ssyncset.done @!p0 $0x0  }
0x15d: {  	[sflag:s0] =	ssyncadd.s32 @!p0 s1  }
0x15e: {  	[bflag:$0x3] =	sbarrier.arrive $0xFFFF  }
0x15f: {  	_ =	shalt  }

</sc_bundles>
